<compile_context>
chip_gen: v7x
topology: tpu7x:2x2x1
jax: 0.10.2.dev20260603
libtpu: 0.0.44.dev20260713+nightly
codegen_flags: <defaults>
</compile_context>

<pallas_src>
import functools

import jax
import jax.numpy as jnp
from jax import lax
from jax.experimental import pallas as pl
from jax.experimental.pallas import tpu as pltpu
from jax.experimental.pallas import tpu_sc as plsc

NC = 2
NS = 16
NW = NC * NS
L = 16
NACC = 5

B, H, W, C = 8, 512, 512, 3
N_PIX = B * H * W
SC_B = 3
TC_B = B - SC_B
PIX_W = SC_B * H * W // NW
HROWS_W = PIX_W // W
CH_H = 16
N_CHUNK = HROWS_W // CH_H
CHUNK_PIX = CH_H * W
GROUPS = CHUNK_PIX // L
IROWS = CHUNK_PIX // 128

_params = pltpu.CompilerParams(use_tc_tiling_on_sc=True,
                               needs_layout_passes=False)


def _make_kernels():
    mesh = plsc.VectorSubcoreMesh(core_axis_name="c", subcore_axis_name="s",
                                  num_cores=NC, num_subcores=NS)

    @functools.partial(
        pl.kernel,
        out_type=jax.ShapeDtypeStruct((NW, 8, 128), jnp.float32),
        mesh=mesh,
        compiler_params=_params,
        scratch_types=[
            pltpu.VMEM((3 * CH_H, W), jnp.float32),
            pltpu.VMEM((3 * CH_H, W), jnp.float32),
            pltpu.VMEM((IROWS, 128), jnp.int32),
            pltpu.VMEM((IROWS, 128), jnp.int32),
            pltpu.VMEM((8, 128), jnp.float32),
            pltpu.SemaphoreType.DMA,
            pltpu.SemaphoreType.DMA,
            pltpu.SemaphoreType.DMA,
            pltpu.SemaphoreType.DMA,
        ],
    )
    def phase1(feats_hbm, inst_hbm, part_hbm, fbuf0, fbuf1, ibuf0, ibuf1,
               obuf, semf0, semf1, semi0, semi1):
        wid = lax.axis_index("s") * NC + lax.axis_index("c")
        hh0 = wid * HROWS_W
        irow0 = wid * (PIX_W // 128)
        fbuf = [fbuf0, fbuf1]
        ibuf = [ibuf0, ibuf1]
        semf = [semf0, semf1]
        semi = [semi0, semi1]

        def start(g, slot):
            hh = hh0 + g * CH_H
            b = hh >> 9
            h = hh & (H - 1)
            hs = []
            for c in range(C):
                r = pl.multiple_of(b * (C * H) + c * H + h, CH_H)
                hs.append(pltpu.async_copy(
                    feats_hbm.at[pl.ds(r, CH_H), :],
                    fbuf[slot].at[pl.ds(c * CH_H, CH_H), :], semf[slot]))
            hs.append(pltpu.async_copy(
                inst_hbm.at[pl.ds(pl.multiple_of(irow0 + g * IROWS, IROWS),
                                  IROWS), :],
                ibuf[slot], semi[slot]))
            return hs

        pend = [None, None]
        pend[0] = start(0, 0)
        zeros = jnp.zeros((L,), jnp.float32)
        carry = (zeros, zeros, zeros, zeros, zeros)
        for g in range(N_CHUNK):
            slot = g % 2
            if g + 1 < N_CHUNK:
                pend[(g + 1) % 2] = start(g + 1, (g + 1) % 2)
            for hdl in pend[slot]:
                hdl.wait()
            fslot = fbuf[slot]
            islot = ibuf[slot]

            def body(i, acc, fslot=fslot, islot=islot):
                t0, t1, t2, c1, c2 = acc
                hr = i >> 5
                wc = pl.multiple_of((i & 31) << 4, 16)
                ir = i >> 3
                ic = pl.multiple_of((i & 7) << 4, 16)
                cv = islot[ir, pl.ds(ic, L)].astype(jnp.float32)
                t = (fslot[hr, pl.ds(wc, L)]
                     + fslot[hr + CH_H, pl.ds(wc, L)]
                     + fslot[hr + 2 * CH_H, pl.ds(wc, L)])
                x = t * cv
                return (t0 + t, t1 + x, t2 + x * cv, c1 + cv, c2 + cv * cv)

            carry = lax.fori_loop(0, GROUPS, body, carry, unroll=4)

        for a in range(NACC):
            obuf[0, pl.ds(a * L, L)] = carry[a]
        pltpu.sync_copy(obuf, part_hbm.at[wid])

    def phase1_tc_body(fref, iref, oref):
        i = pl.program_id(0)
        cls = iref[...].reshape(H, W).astype(jnp.float32)
        t = (fref[pl.ds(0, H), :] + fref[pl.ds(H, H), :]
             + fref[pl.ds(2 * H, H), :])
        x = t * cls
        t0 = jnp.sum(t)
        t1 = jnp.sum(x)
        t2 = jnp.sum(x * cls)
        c1 = jnp.sum(cls)
        c2 = jnp.sum(cls * cls)

        @pl.when(i == 0)
        def _():
            oref[...] = jnp.zeros((8, 128), jnp.float32)

        row = lax.broadcasted_iota(jnp.int32, (8, 128), 0)
        lane = lax.broadcasted_iota(jnp.int32, (8, 128), 1)
        vals = jnp.zeros((8, 128), jnp.float32)
        for k, val in enumerate((t0, t1, t2, c1, c2)):
            vals = jnp.where((row == 0) & (lane == k), val, vals)
        oref[...] = oref[...] + vals

    phase1_tc = pl.pallas_call(
        phase1_tc_body,
        grid=(TC_B,),
        in_specs=[
            pl.BlockSpec((C * H, W), lambda i: (SC_B + i, 0)),
            pl.BlockSpec((H * W // 128, 128), lambda i: (SC_B + i, 0)),
        ],
        out_specs=pl.BlockSpec((8, 128), lambda i: (0, 0)),
        out_shape=jax.ShapeDtypeStruct((8, 128), jnp.float32),
        compiler_params=pltpu.CompilerParams(
            dimension_semantics=("arbitrary",)),
    )

    def phase2_body(iref, pref, tpref, oref):
        part = pref[...]
        s = jnp.sum(part[:, 0, :], axis=0)
        t0 = jnp.sum(s[0 * L:1 * L]) + tpref[0, 0]
        t1 = jnp.sum(s[1 * L:2 * L]) + tpref[0, 1]
        t2 = jnp.sum(s[2 * L:3 * L]) + tpref[0, 2]
        c1 = jnp.sum(s[3 * L:4 * L]) + tpref[0, 3]
        c2 = jnp.sum(s[4 * L:5 * L]) + tpref[0, 4]
        n_elems = jnp.float32(N_PIX * 3)
        s2 = (t2 - t1) * 0.5
        s1 = t1 - 2.0 * s2
        s0 = t0 - s1 - s2
        n2 = 3.0 * (c2 - c1) * 0.5
        n1 = 3.0 * c1 - 2.0 * n2
        n0 = n_elems - n1 - n2
        m0 = s0 / n0
        m1 = s1 / n1
        m2 = s2 / n2
        cls = iref[...].reshape(H, W)
        v = jnp.where(cls == 0, m0,
                      jnp.where(cls == 1, m1, m2)).astype(jnp.float32)
        for c in range(C):
            oref[pl.ds(c * H, H), :] = v

    phase2 = pl.pallas_call(
        phase2_body,
        grid=(B,),
        in_specs=[
            pl.BlockSpec((H * W // 128, 128), lambda i: (i, 0)),
            pl.BlockSpec((NW, 8, 128), lambda i: (0, 0, 0)),
            pl.BlockSpec((8, 128), lambda i: (0, 0)),
        ],
        out_specs=pl.BlockSpec((C * H, W), lambda i: (i, 0)),
        out_shape=jax.ShapeDtypeStruct((B * C * H, W), jnp.float32),
        compiler_params=pltpu.CompilerParams(
            dimension_semantics=("parallel",)),
    )

    def run(feats, inst):
        ft = feats.transpose(0, 3, 1, 2).reshape(B * C * H, W)
        ii = inst.reshape(N_PIX // 128, 128)
        part = phase1(ft, ii)
        part_tc = phase1_tc(ft, ii)
        out2d = phase2(ii, part, part_tc)
        return out2d.reshape(B, C, H, W).transpose(0, 2, 3, 1)

    return run


_make_kernels_cached = functools.lru_cache(maxsize=None)(_make_kernels)


@jax.jit
def kernel(feats, inst):
    return _make_kernels_cached()(feats, inst)

# --- scband reference (transcript-rebuilt; emitter-appended) ---
"""Pipeline reference for scband-instance-wise-average-pooling-42107859370186 (READ-ONLY COPY).

The authoritative reference and input builder live on the scoring server;
editing this copy changes nothing except your own understanding.
"""

import jax, jax.numpy as jnp
import numpy as np


def setup_inputs(seed: int = 0) -> dict:
    key = jax.random.key(seed)
    k1, k2 = jax.random.split(key)
    feats = jax.random.normal(k1, (8, 512, 512, 3), dtype=jnp.float32)
    inst = jax.random.randint(k2, (8, 512, 512, 1), 0, 3, dtype=jnp.int32)
    return {"feats": feats, "inst": inst}


def reference(feats, inst):
    n_classes = 3
    inst_i = inst.astype(jnp.int32)
    f = feats
    for c in range(n_classes):
        mask_bool = (inst_i == c)  # [B, H, W, 1]
        mask_bool = jnp.tile(mask_bool, (1, 1, 1, 3))  # [B, H, W, 3]
        mask = mask_bool.astype(f.dtype)
        # mean of feats over masked positions (global scalar, matches tf.boolean_mask + K.mean)
        feats_mean = jnp.sum(f * mask) / jnp.sum(mask)
        f = (1.0 - mask) * f
        f = f + mask * feats_mean
    return f

if __name__ == "__main__":
    import jax
    _d = setup_inputs()
    print(jax.jit(kernel)(*tuple(_d.values())))

</pallas_src>

<mosaic_0001>
#map = affine_map<(d0, d1) -> (0, 0)>
#map1 = affine_map<(d0, d1) -> (0, 0, 0)>
module attributes {stable_mosaic.version = 14 : i64} {
  func.func @phase1(%arg0: i32, %arg1: i32, %arg2: memref<12288x512xf32, #tpu.memory_space<hbm>>, %arg3: memref<16384x128xi32, #tpu.memory_space<hbm>>, %arg4: memref<32x8x128xf32, #tpu.memory_space<hbm>>, %arg5: memref<48x512xf32, #tpu.memory_space<vmem>>, %arg6: memref<48x512xf32, #tpu.memory_space<vmem>>, %arg7: memref<64x128xi32, #tpu.memory_space<vmem>>, %arg8: memref<64x128xi32, #tpu.memory_space<vmem>>, %arg9: memref<8x128xf32, #tpu.memory_space<vmem>>, %arg10: memref<!tpu.dma_semaphore, #tpu.memory_space<semaphore_mem>>, %arg11: memref<!tpu.dma_semaphore, #tpu.memory_space<semaphore_mem>>, %arg12: memref<!tpu.dma_semaphore, #tpu.memory_space<semaphore_mem>>, %arg13: memref<!tpu.dma_semaphore, #tpu.memory_space<semaphore_mem>>) attributes {dimension_semantics = [#tpu.dimension_semantics<core_parallel>, #tpu.dimension_semantics<subcore_parallel>], iteration_bounds = array<i64: 2, 16>, scalar_prefetch = 0 : i64, scratch_operands = 9 : i64, tpu.core_type = #tpu.core_type<sc_vector_subcore>, window_params = [{transform_indices = #map}, {transform_indices = #map}, {transform_indices = #map1}]} {
    %mul3A = arith.constant 2 : i32
    %mul3A_0 = arith.muli %arg1, %mul3A : i32
    %add3A = arith.addi %mul3A_0, %arg0 : i32
    %mul3A_1 = arith.constant 48 : i32
    %mul3A_2 = arith.muli %add3A, %mul3A_1 : i32
    %mul3A_3 = arith.constant 192 : i32
    %mul3A_4 = arith.muli %add3A, %mul3A_3 : i32
    %add3A_5 = arith.constant 0 : i32
    %add3A_6 = arith.addi %mul3A_2, %add3A_5 : i32
    %shift_right_arithmetic3A = arith.constant 9 : i32
    %shift_right_arithmetic3A_7 = arith.shrsi %add3A_6, %shift_right_arithmetic3A : i32
    %and3A = arith.constant 511 : i32
    %and3A_8 = arith.andi %add3A_6, %and3A : i32
    %mul3A_9 = arith.constant 1536 : i32
    %mul3A_10 = arith.muli %shift_right_arithmetic3A_7, %mul3A_9 : i32
    %add3A_11 = arith.constant 0 : i32
    %add3A_12 = arith.addi %mul3A_10, %add3A_11 : i32
    %add3A_13 = arith.addi %add3A_12, %and3A_8 : i32
    %multiple_of3A = tpu.assume_multiple %add3A_13, 16 : i32
    %dma_start3A = arith.constant 0 : i32
    %dma_start3A_14 = arith.constant 0 : i32
    %dma_start3A_15 = tpu.memref_slice %arg5[%dma_start3A, %dma_start3A_14] : memref<48x512xf32, #tpu.memory_space<vmem>> -> memref<16x512xf32, #tpu.memory_space<vmem>>
    %dma_start3A_16 = arith.constant 0 : i32
    %dma_start3A_17 = tpu.memref_slice %arg2[%multiple_of3A, %dma_start3A_16] : memref<12288x512xf32, #tpu.memory_space<hbm>> -> memref<16x512xf32, #tpu.memory_space<hbm>>
    %dma_start3A_18 = arith.constant 0 : i32
    %dma_start3A_19 = arith.constant 0 : i32
    %dma_start3A_20 = tpu.memref_slice %arg5[%dma_start3A_18, %dma_start3A_19] : memref<48x512xf32, #tpu.memory_space<vmem>> -> memref<16x512xf32, #tpu.memory_space<vmem>>
    %dma_start3A_21 = arith.constant 0 : i32
    %dma_start3A_22 = tpu.memref_slice %arg2[%multiple_of3A, %dma_start3A_21] : memref<12288x512xf32, #tpu.memory_space<hbm>> -> memref<16x512xf32, #tpu.memory_space<hbm>>
    tpu.enqueue_dma source(%dma_start3A_22 : memref<16x512xf32, #tpu.memory_space<hbm>>) target(%dma_start3A_20 : memref<16x512xf32, #tpu.memory_space<vmem>>) target_semaphore(%arg10 : memref<!tpu.dma_semaphore, #tpu.memory_space<semaphore_mem>>)
    %mul3A_23 = arith.constant 1536 : i32
    %mul3A_24 = arith.muli %shift_right_arithmetic3A_7, %mul3A_23 : i32
    %add3A_25 = arith.constant 512 : i32
    %add3A_26 = arith.addi %mul3A_24, %add3A_25 : i32
    %add3A_27 = arith.addi %add3A_26, %and3A_8 : i32
    %multiple_of3A_28 = tpu.assume_multiple %add3A_27, 16 : i32
    %dma_start3A_29 = arith.constant 16 : i32
    %dma_start3A_30 = arith.constant 0 : i32
    %dma_start3A_31 = tpu.memref_slice %arg5[%dma_start3A_29, %dma_start3A_30] : memref<48x512xf32, #tpu.memory_space<vmem>> -> memref<16x512xf32, #tpu.memory_space<vmem>>
    %dma_start3A_32 = arith.constant 0 : i32
    %dma_start3A_33 = tpu.memref_slice %arg2[%multiple_of3A_28, %dma_start3A_32] : memref<12288x512xf32, #tpu.memory_space<hbm>> -> memref<16x512xf32, #tpu.memory_space<hbm>>
    %dma_start3A_34 = arith.constant 16 : i32
    %dma_start3A_35 = arith.constant 0 : i32
    %dma_start3A_36 = tpu.memref_slice %arg5[%dma_start3A_34, %dma_start3A_35] : memref<48x512xf32, #tpu.memory_space<vmem>> -> memref<16x512xf32, #tpu.memory_space<vmem>>
    %dma_start3A_37 = arith.constant 0 : i32
    %dma_start3A_38 = tpu.memref_slice %arg2[%multiple_of3A_28, %dma_start3A_37] : memref<12288x512xf32, #tpu.memory_space<hbm>> -> memref<16x512xf32, #tpu.memory_space<hbm>>
    tpu.enqueue_dma source(%dma_start3A_38 : memref<16x512xf32, #tpu.memory_space<hbm>>) target(%dma_start3A_36 : memref<16x512xf32, #tpu.memory_space<vmem>>) target_semaphore(%arg10 : memref<!tpu.dma_semaphore, #tpu.memory_space<semaphore_mem>>)
    %mul3A_39 = arith.constant 1536 : i32
    %mul3A_40 = arith.muli %shift_right_arithmetic3A_7, %mul3A_39 : i32
    %add3A_41 = arith.constant 1024 : i32
    %add3A_42 = arith.addi %mul3A_40, %add3A_41 : i32
    %add3A_43 = arith.addi %add3A_42, %and3A_8 : i32
    %multiple_of3A_44 = tpu.assume_multiple %add3A_43, 16 : i32
    %dma_start3A_45 = arith.constant 32 : i32
    %dma_start3A_46 = arith.constant 0 : i32
    %dma_start3A_47 = tpu.memref_slice %arg5[%dma_start3A_45, %dma_start3A_46] : memref<48x512xf32, #tpu.memory_space<vmem>> -> memref<16x512xf32, #tpu.memory_space<vmem>>
    %dma_start3A_48 = arith.constant 0 : i32
    %dma_start3A_49 = tpu.memref_slice %arg2[%multiple_of3A_44, %dma_start3A_48] : memref<12288x512xf32, #tpu.memory_space<hbm>> -> memref<16x512xf32, #tpu.memory_space<hbm>>
    %dma_start3A_50 = arith.constant 32 : i32
    %dma_start3A_51 = arith.constant 0 : i32
    %dma_start3A_52 = tpu.memref_slice %arg5[%dma_start3A_50, %dma_start3A_51] : memref<48x512xf32, #tpu.memory_space<vmem>> -> memref<16x512xf32, #tpu.memory_space<vmem>>
    %dma_start3A_53 = arith.constant 0 : i32
    %dma_start3A_54 = tpu.memref_slice %arg2[%multiple_of3A_44, %dma_start3A_53] : memref<12288x512xf32, #tpu.memory_space<hbm>> -> memref<16x512xf32, #tpu.memory_space<hbm>>
    tpu.enqueue_dma source(%dma_start3A_54 : memref<16x512xf32, #tpu.memory_space<hbm>>) target(%dma_start3A_52 : memref<16x512xf32, #tpu.memory_space<vmem>>) target_semaphore(%arg10 : memref<!tpu.dma_semaphore, #tpu.memory_space<semaphore_mem>>)
    %add3A_55 = arith.constant 0 : i32
    %add3A_56 = arith.addi %mul3A_4, %add3A_55 : i32
    %multiple_of3A_57 = tpu.assume_multiple %add3A_56, 64 : i32
    %dma_start3A_58 = arith.constant 0 : i32
    %dma_start3A_59 = tpu.memref_slice %arg3[%multiple_of3A_57, %dma_start3A_58] : memref<16384x128xi32, #tpu.memory_space<hbm>> -> memref<64x128xi32, #tpu.memory_space<hbm>>
    %dma_start3A_60 = arith.constant 0 : i32
    %dma_start3A_61 = tpu.memref_slice %arg3[%multiple_of3A_57, %dma_start3A_60] : memref<16384x128xi32, #tpu.memory_space<hbm>> -> memref<64x128xi32, #tpu.memory_space<hbm>>
    tpu.enqueue_dma source(%dma_start3A_61 : memref<64x128xi32, #tpu.memory_space<hbm>>) target(%arg7 : memref<64x128xi32, #tpu.memory_space<vmem>>) target_semaphore(%arg12 : memref<!tpu.dma_semaphore, #tpu.memory_space<semaphore_mem>>)
    %broadcast_in_dim3A = arith.constant 0.000000e+00 : f32
    %broadcast_in_dim3A_62 = vector.broadcast %broadcast_in_dim3A : f32 to vector<16xf32>
    %add3A_63 = arith.constant 16 : i32
    %add3A_64 = arith.addi %mul3A_2, %add3A_63 : i32
    %shift_right_arithmetic3A_65 = arith.constant 9 : i32
    %shift_right_arithmetic3A_66 = arith.shrsi %add3A_64, %shift_right_arithmetic3A_65 : i32
    %and3A_67 = arith.constant 511 : i32
    %and3A_68 = arith.andi %add3A_64, %and3A_67 : i32
    %mul3A_69 = arith.constant 1536 : i32
    %mul3A_70 = arith.muli %shift_right_arithmetic3A_66, %mul3A_69 : i32
    %add3A_71 = arith.constant 0 : i32
    %add3A_72 = arith.addi %mul3A_70, %add3A_71 : i32
    %add3A_73 = arith.addi %add3A_72, %and3A_68 : i32
    %multiple_of3A_74 = tpu.assume_multiple %add3A_73, 16 : i32
    %dma_start3A_75 = arith.constant 0 : i32
    %dma_start3A_76 = arith.constant 0 : i32
    %dma_start3A_77 = tpu.memref_slice %arg6[%dma_start3A_75, %dma_start3A_76] : memref<48x512xf32, #tpu.memory_space<vmem>> -> memref<16x512xf32, #tpu.memory_space<vmem>>
    %dma_start3A_78 = arith.constant 0 : i32
    %dma_start3A_79 = tpu.memref_slice %arg2[%multiple_of3A_74, %dma_start3A_78] : memref<12288x512xf32, #tpu.memory_space<hbm>> -> memref<16x512xf32, #tpu.memory_space<hbm>>
    %dma_start3A_80 = arith.constant 0 : i32
    %dma_start3A_81 = arith.constant 0 : i32
    %dma_start3A_82 = tpu.memref_slice %arg6[%dma_start3A_80, %dma_start3A_81] : memref<48x512xf32, #tpu.memory_space<vmem>> -> memref<16x512xf32, #tpu.memory_space<vmem>>
    %dma_start3A_83 = arith.constant 0 : i32
    %dma_start3A_84 = tpu.memref_slice %arg2[%multiple_of3A_74, %dma_start3A_83] : memref<12288x512xf32, #tpu.memory_space<hbm>> -> memref<16x512xf32, #tpu.memory_space<hbm>>
    tpu.enqueue_dma source(%dma_start3A_84 : memref<16x512xf32, #tpu.memory_space<hbm>>) target(%dma_start3A_82 : memref<16x512xf32, #tpu.memory_space<vmem>>) target_semaphore(%arg11 : memref<!tpu.dma_semaphore, #tpu.memory_space<semaphore_mem>>)
    %mul3A_85 = arith.constant 1536 : i32
    %mul3A_86 = arith.muli %shift_right_arithmetic3A_66, %mul3A_85 : i32
    %add3A_87 = arith.constant 512 : i32
    %add3A_88 = arith.addi %mul3A_86, %add3A_87 : i32
    %add3A_89 = arith.addi %add3A_88, %and3A_68 : i32
    %multiple_of3A_90 = tpu.assume_multiple %add3A_89, 16 : i32
    %dma_start3A_91 = arith.constant 16 : i32
    %dma_start3A_92 = arith.constant 0 : i32
    %dma_start3A_93 = tpu.memref_slice %arg6[%dma_start3A_91, %dma_start3A_92] : memref<48x512xf32, #tpu.memory_space<vmem>> -> memref<16x512xf32, #tpu.memory_space<vmem>>
    %dma_start3A_94 = arith.constant 0 : i32
    %dma_start3A_95 = tpu.memref_slice %arg2[%multiple_of3A_90, %dma_start3A_94] : memref<12288x512xf32, #tpu.memory_space<hbm>> -> memref<16x512xf32, #tpu.memory_space<hbm>>
    %dma_start3A_96 = arith.constant 16 : i32
    %dma_start3A_97 = arith.constant 0 : i32
    %dma_start3A_98 = tpu.memref_slice %arg6[%dma_start3A_96, %dma_start3A_97] : memref<48x512xf32, #tpu.memory_space<vmem>> -> memref<16x512xf32, #tpu.memory_space<vmem>>
    %dma_start3A_99 = arith.constant 0 : i32
    %dma_start3A_100 = tpu.memref_slice %arg2[%multiple_of3A_90, %dma_start3A_99] : memref<12288x512xf32, #tpu.memory_space<hbm>> -> memref<16x512xf32, #tpu.memory_space<hbm>>
    tpu.enqueue_dma source(%dma_start3A_100 : memref<16x512xf32, #tpu.memory_space<hbm>>) target(%dma_start3A_98 : memref<16x512xf32, #tpu.memory_space<vmem>>) target_semaphore(%arg11 : memref<!tpu.dma_semaphore, #tpu.memory_space<semaphore_mem>>)
    %mul3A_101 = arith.constant 1536 : i32
    %mul3A_102 = arith.muli %shift_right_arithmetic3A_66, %mul3A_101 : i32
    %add3A_103 = arith.constant 1024 : i32
    %add3A_104 = arith.addi %mul3A_102, %add3A_103 : i32
    %add3A_105 = arith.addi %add3A_104, %and3A_68 : i32
    %multiple_of3A_106 = tpu.assume_multiple %add3A_105, 16 : i32
    %dma_start3A_107 = arith.constant 32 : i32
    %dma_start3A_108 = arith.constant 0 : i32
    %dma_start3A_109 = tpu.memref_slice %arg6[%dma_start3A_107, %dma_start3A_108] : memref<48x512xf32, #tpu.memory_space<vmem>> -> memref<16x512xf32, #tpu.memory_space<vmem>>
    %dma_start3A_110 = arith.constant 0 : i32
    %dma_start3A_111 = tpu.memref_slice %arg2[%multiple_of3A_106, %dma_start3A_110] : memref<12288x512xf32, #tpu.memory_space<hbm>> -> memref<16x512xf32, #tpu.memory_space<hbm>>
    %dma_start3A_112 = arith.constant 32 : i32
    %dma_start3A_113 = arith.constant 0 : i32
    %dma_start3A_114 = tpu.memref_slice %arg6[%dma_start3A_112, %dma_start3A_113] : memref<48x512xf32, #tpu.memory_space<vmem>> -> memref<16x512xf32, #tpu.memory_space<vmem>>
    %dma_start3A_115 = arith.constant 0 : i32
    %dma_start3A_116 = tpu.memref_slice %arg2[%multiple_of3A_106, %dma_start3A_115] : memref<12288x512xf32, #tpu.memory_space<hbm>> -> memref<16x512xf32, #tpu.memory_space<hbm>>
    tpu.enqueue_dma source(%dma_start3A_116 : memref<16x512xf32, #tpu.memory_space<hbm>>) target(%dma_start3A_114 : memref<16x512xf32, #tpu.memory_space<vmem>>) target_semaphore(%arg11 : memref<!tpu.dma_semaphore, #tpu.memory_space<semaphore_mem>>)
    %add3A_117 = arith.constant 64 : i32
    %add3A_118 = arith.addi %mul3A_4, %add3A_117 : i32
    %multiple_of3A_119 = tpu.assume_multiple %add3A_118, 64 : i32
    %dma_start3A_120 = arith.constant 0 : i32
    %dma_start3A_121 = tpu.memref_slice %arg3[%multiple_of3A_119, %dma_start3A_120] : memref<16384x128xi32, #tpu.memory_space<hbm>> -> memref<64x128xi32, #tpu.memory_space<hbm>>
    %dma_start3A_122 = arith.constant 0 : i32
    %dma_start3A_123 = tpu.memref_slice %arg3[%multiple_of3A_119, %dma_start3A_122] : memref<16384x128xi32, #tpu.memory_space<hbm>> -> memref<64x128xi32, #tpu.memory_space<hbm>>
    tpu.enqueue_dma source(%dma_start3A_123 : memref<64x128xi32, #tpu.memory_space<hbm>>) target(%arg8 : memref<64x128xi32, #tpu.memory_space<vmem>>) target_semaphore(%arg13 : memref<!tpu.dma_semaphore, #tpu.memory_space<semaphore_mem>>)
    %dma_wait3A = arith.constant 0 : i32
    %dma_wait3A_124 = arith.constant 0 : i32
    %dma_wait3A_125 = tpu.memref_slice %arg5[%dma_wait3A, %dma_wait3A_124] : memref<48x512xf32, #tpu.memory_space<vmem>> -> memref<16x512xf32, #tpu.memory_space<vmem>>
    %dma_wait3A_126 = arith.constant 0 : i32
    %dma_wait3A_127 = tpu.memref_slice %arg2[%multiple_of3A, %dma_wait3A_126] : memref<12288x512xf32, #tpu.memory_space<hbm>> -> memref<16x512xf32, #tpu.memory_space<hbm>>
    %dma_wait3A_128 = arith.constant 0 : i32
    %dma_wait3A_129 = arith.constant 0 : i32
    %dma_wait3A_130 = tpu.memref_slice %arg5[%dma_wait3A_128, %dma_wait3A_129] : memref<48x512xf32, #tpu.memory_space<vmem>> -> memref<16x512xf32, #tpu.memory_space<vmem>>
    %dma_wait3A_131 = arith.constant 0 : i32
    %dma_wait3A_132 = tpu.memref_slice %arg2[%multiple_of3A, %dma_wait3A_131] : memref<12288x512xf32, #tpu.memory_space<hbm>> -> memref<16x512xf32, #tpu.memory_space<hbm>>
    tpu.wait_dma2 semaphore(%arg10 : memref<!tpu.dma_semaphore, #tpu.memory_space<semaphore_mem>>) src(%dma_wait3A_132 : memref<16x512xf32, #tpu.memory_space<hbm>>) dst(%dma_wait3A_130 : memref<16x512xf32, #tpu.memory_space<vmem>>)
    %dma_wait3A_133 = arith.constant 16 : i32
    %dma_wait3A_134 = arith.constant 0 : i32
    %dma_wait3A_135 = tpu.memref_slice %arg5[%dma_wait3A_133, %dma_wait3A_134] : memref<48x512xf32, #tpu.memory_space<vmem>> -> memref<16x512xf32, #tpu.memory_space<vmem>>
    %dma_wait3A_136 = arith.constant 0 : i32
    %dma_wait3A_137 = tpu.memref_slice %arg2[%multiple_of3A_28, %dma_wait3A_136] : memref<12288x512xf32, #tpu.memory_space<hbm>> -> memref<16x512xf32, #tpu.memory_space<hbm>>
    %dma_wait3A_138 = arith.constant 16 : i32
    %dma_wait3A_139 = arith.constant 0 : i32
    %dma_wait3A_140 = tpu.memref_slice %arg5[%dma_wait3A_138, %dma_wait3A_139] : memref<48x512xf32, #tpu.memory_space<vmem>> -> memref<16x512xf32, #tpu.memory_space<vmem>>
    %dma_wait3A_141 = arith.constant 0 : i32
    %dma_wait3A_142 = tpu.memref_slice %arg2[%multiple_of3A_28, %dma_wait3A_141] : memref<12288x512xf32, #tpu.memory_space<hbm>> -> memref<16x512xf32, #tpu.memory_space<hbm>>
    tpu.wait_dma2 semaphore(%arg10 : memref<!tpu.dma_semaphore, #tpu.memory_space<semaphore_mem>>) src(%dma_wait3A_142 : memref<16x512xf32, #tpu.memory_space<hbm>>) dst(%dma_wait3A_140 : memref<16x512xf32, #tpu.memory_space<vmem>>)
    %dma_wait3A_143 = arith.constant 32 : i32
    %dma_wait3A_144 = arith.constant 0 : i32
    %dma_wait3A_145 = tpu.memref_slice %arg5[%dma_wait3A_143, %dma_wait3A_144] : memref<48x512xf32, #tpu.memory_space<vmem>> -> memref<16x512xf32, #tpu.memory_space<vmem>>
    %dma_wait3A_146 = arith.constant 0 : i32
    %dma_wait3A_147 = tpu.memref_slice %arg2[%multiple_of3A_44, %dma_wait3A_146] : memref<12288x512xf32, #tpu.memory_space<hbm>> -> memref<16x512xf32, #tpu.memory_space<hbm>>
    %dma_wait3A_148 = arith.constant 32 : i32
    %dma_wait3A_149 = arith.constant 0 : i32
    %dma_wait3A_150 = tpu.memref_slice %arg5[%dma_wait3A_148, %dma_wait3A_149] : memref<48x512xf32, #tpu.memory_space<vmem>> -> memref<16x512xf32, #tpu.memory_space<vmem>>
    %dma_wait3A_151 = arith.constant 0 : i32
    %dma_wait3A_152 = tpu.memref_slice %arg2[%multiple_of3A_44, %dma_wait3A_151] : memref<12288x512xf32, #tpu.memory_space<hbm>> -> memref<16x512xf32, #tpu.memory_space<hbm>>
    tpu.wait_dma2 semaphore(%arg10 : memref<!tpu.dma_semaphore, #tpu.memory_space<semaphore_mem>>) src(%dma_wait3A_152 : memref<16x512xf32, #tpu.memory_space<hbm>>) dst(%dma_wait3A_150 : memref<16x512xf32, #tpu.memory_space<vmem>>)
    %dma_wait3A_153 = arith.constant 0 : i32
    %dma_wait3A_154 = tpu.memref_slice %arg3[%multiple_of3A_57, %dma_wait3A_153] : memref<16384x128xi32, #tpu.memory_space<hbm>> -> memref<64x128xi32, #tpu.memory_space<hbm>>
    %dma_wait3A_155 = arith.constant 0 : i32
    %dma_wait3A_156 = tpu.memref_slice %arg3[%multiple_of3A_57, %dma_wait3A_155] : memref<16384x128xi32, #tpu.memory_space<hbm>> -> memref<64x128xi32, #tpu.memory_space<hbm>>
    tpu.wait_dma2 semaphore(%arg12 : memref<!tpu.dma_semaphore, #tpu.memory_space<semaphore_mem>>) src(%dma_wait3A_156 : memref<64x128xi32, #tpu.memory_space<hbm>>) dst(%arg7 : memref<64x128xi32, #tpu.memory_space<vmem>>)
    %scan3A = arith.constant 0 : i32
    %scan3A_157 = arith.constant 512 : i32
    %scan3A_158 = arith.addi %scan3A, %scan3A_157 : i32
    %scan3A_159 = arith.constant 4 : i32
    %scan3A_160:5 = scf.for %scan3A_322 = %scan3A to %scan3A_158 step %scan3A_159 iter_args(%scan3A_323 = %broadcast_in_dim3A_62, %scan3A_324 = %broadcast_in_dim3A_62, %scan3A_325 = %broadcast_in_dim3A_62, %scan3A_326 = %broadcast_in_dim3A_62, %scan3A_327 = %broadcast_in_dim3A_62) -> (vector<16xf32>, vector<16xf32>, vector<16xf32>, vector<16xf32>, vector<16xf32>)  : i32 {
      %shift_right_arithmetic3A_328 = arith.constant 5 : i32
      %shift_right_arithmetic3A_329 = arith.shrsi %scan3A_322, %shift_right_arithmetic3A_328 : i32
      %and3A_330 = arith.constant 31 : i32
      %and3A_331 = arith.andi %scan3A_322, %and3A_330 : i32
      %shift_left3A = arith.constant 4 : i32
      %shift_left3A_332 = arith.shli %and3A_331, %shift_left3A : i32
      %multiple_of3A_333 = tpu.assume_multiple %shift_left3A_332, 16 : i32
      %shift_right_arithmetic3A_334 = arith.constant 3 : i32
      %shift_right_arithmetic3A_335 = arith.shrsi %scan3A_322, %shift_right_arithmetic3A_334 : i32
      %and3A_336 = arith.constant 7 : i32
      %and3A_337 = arith.andi %scan3A_322, %and3A_336 : i32
      %shift_left3A_338 = arith.constant 4 : i32
      %shift_left3A_339 = arith.shli %and3A_337, %shift_left3A_338 : i32
      %multiple_of3A_340 = tpu.assume_multiple %shift_left3A_339, 16 : i32
      %get3A = arith.index_cast %shift_right_arithmetic3A_335 : i32 to index
      %get3A_341 = arith.index_cast %multiple_of3A_340 : i32 to index
      %get3A_342 = tpu.vector_load %arg7[%get3A, %get3A_341] {strides = array<i32>} : memref<64x128xi32, #tpu.memory_space<vmem>>, vector<16xi32>,
      %convert_element_type3A = arith.sitofp %get3A_342 : vector<16xi32> to vector<16xf32>
      %get3A_343 = arith.index_cast %shift_right_arithmetic3A_329 : i32 to index
      %get3A_344 = arith.index_cast %multiple_of3A_333 : i32 to index
      %get3A_345 = tpu.vector_load %arg5[%get3A_343, %get3A_344] {strides = array<i32>} : memref<48x512xf32, #tpu.memory_space<vmem>>, vector<16xf32>,
      %add3A_346 = arith.constant 16 : i32
      %add3A_347 = arith.addi %shift_right_arithmetic3A_329, %add3A_346 : i32
      %get3A_348 = arith.index_cast %add3A_347 : i32 to index
      %get3A_349 = arith.index_cast %multiple_of3A_333 : i32 to index
      %get3A_350 = tpu.vector_load %arg5[%get3A_348, %get3A_349] {strides = array<i32>} : memref<48x512xf32, #tpu.memory_space<vmem>>, vector<16xf32>,
      %add3A_351 = arith.addf %get3A_345, %get3A_350 : vector<16xf32>
      %add3A_352 = arith.constant 32 : i32
      %add3A_353 = arith.addi %shift_right_arithmetic3A_329, %add3A_352 : i32
      %get3A_354 = arith.index_cast %add3A_353 : i32 to index
      %get3A_355 = arith.index_cast %multiple_of3A_333 : i32 to index
      %get3A_356 = tpu.vector_load %arg5[%get3A_354, %get3A_355] {strides = array<i32>} : memref<48x512xf32, #tpu.memory_space<vmem>>, vector<16xf32>,
      %add3A_357 = arith.addf %add3A_351, %get3A_356 : vector<16xf32>
      %mul3A_358 = arith.mulf %add3A_357, %convert_element_type3A : vector<16xf32>
      %add3A_359 = arith.addf %scan3A_323, %add3A_357 : vector<16xf32>
      %add3A_360 = arith.addf %scan3A_324, %mul3A_358 : vector<16xf32>
      %mul3A_361 = arith.mulf %mul3A_358, %convert_element_type3A : vector<16xf32>
      %add3A_362 = arith.addf %scan3A_325, %mul3A_361 : vector<16xf32>
      %add3A_363 = arith.addf %scan3A_326, %convert_element_type3A : vector<16xf32>
      %mul3A_364 = arith.mulf %convert_element_type3A, %convert_element_type3A : vector<16xf32>
      %add3A_365 = arith.addf %scan3A_327, %mul3A_364 : vector<16xf32>
      %scan3A_366 = arith.constant 1 : i32
      %scan3A_367 = arith.addi %scan3A_322, %scan3A_366 : i32
      %shift_right_arithmetic3A_368 = arith.constant 5 : i32
      %shift_right_arithmetic3A_369 = arith.shrsi %scan3A_367, %shift_right_arithmetic3A_368 : i32
      %and3A_370 = arith.constant 31 : i32
      %and3A_371 = arith.andi %scan3A_367, %and3A_370 : i32
      %shift_left3A_372 = arith.constant 4 : i32
      %shift_left3A_373 = arith.shli %and3A_371, %shift_left3A_372 : i32
      %multiple_of3A_374 = tpu.assume_multiple %shift_left3A_373, 16 : i32
      %shift_right_arithmetic3A_375 = arith.constant 3 : i32
      %shift_right_arithmetic3A_376 = arith.shrsi %scan3A_367, %shift_right_arithmetic3A_375 : i32
      %and3A_377 = arith.constant 7 : i32
      %and3A_378 = arith.andi %scan3A_367, %and3A_377 : i32
      %shift_left3A_379 = arith.constant 4 : i32
      %shift_left3A_380 = arith.shli %and3A_378, %shift_left3A_379 : i32
      %multiple_of3A_381 = tpu.assume_multiple %shift_left3A_380, 16 : i32
      %get3A_382 = arith.index_cast %shift_right_arithmetic3A_376 : i32 to index
      %get3A_383 = arith.index_cast %multiple_of3A_381 : i32 to index
      %get3A_384 = tpu.vector_load %arg7[%get3A_382, %get3A_383] {strides = array<i32>} : memref<64x128xi32, #tpu.memory_space<vmem>>, vector<16xi32>,
      %convert_element_type3A_385 = arith.sitofp %get3A_384 : vector<16xi32> to vector<16xf32>
      %get3A_386 = arith.index_cast %shift_right_arithmetic3A_369 : i32 to index
      %get3A_387 = arith.index_cast %multiple_of3A_374 : i32 to index
      %get3A_388 = tpu.vector_load %arg5[%get3A_386, %get3A_387] {strides = array<i32>} : memref<48x512xf32, #tpu.memory_space<vmem>>, vector<16xf32>,
      %add3A_389 = arith.constant 16 : i32
      %add3A_390 = arith.addi %shift_right_arithmetic3A_369, %add3A_389 : i32
      %get3A_391 = arith.index_cast %add3A_390 : i32 to index
      %get3A_392 = arith.index_cast %multiple_of3A_374 : i32 to index
      %get3A_393 = tpu.vector_load %arg5[%get3A_391, %get3A_392] {strides = array<i32>} : memref<48x512xf32, #tpu.memory_space<vmem>>, vector<16xf32>,
      %add3A_394 = arith.addf %get3A_388, %get3A_393 : vector<16xf32>
      %add3A_395 = arith.constant 32 : i32
      %add3A_396 = arith.addi %shift_right_arithmetic3A_369, %add3A_395 : i32
      %get3A_397 = arith.index_cast %add3A_396 : i32 to index
      %get3A_398 = arith.index_cast %multiple_of3A_374 : i32 to index
      %get3A_399 = tpu.vector_load %arg5[%get3A_397, %get3A_398] {strides = array<i32>} : memref<48x512xf32, #tpu.memory_space<vmem>>, vector<16xf32>,
      %add3A_400 = arith.addf %add3A_394, %get3A_399 : vector<16xf32>
      %mul3A_401 = arith.mulf %add3A_400, %convert_element_type3A_385 : vector<16xf32>
      %add3A_402 = arith.addf %add3A_359, %add3A_400 : vector<16xf32>
      %add3A_403 = arith.addf %add3A_360, %mul3A_401 : vector<16xf32>
      %mul3A_404 = arith.mulf %mul3A_401, %convert_element_type3A_385 : vector<16xf32>
      %add3A_405 = arith.addf %add3A_362, %mul3A_404 : vector<16xf32>
      %add3A_406 = arith.addf %add3A_363, %convert_element_type3A_385 : vector<16xf32>
      %mul3A_407 = arith.mulf %convert_element_type3A_385, %convert_element_type3A_385 : vector<16xf32>
      %add3A_408 = arith.addf %add3A_365, %mul3A_407 : vector<16xf32>
      %scan3A_409 = arith.constant 2 : i32
      %scan3A_410 = arith.addi %scan3A_322, %scan3A_409 : i32
      %shift_right_arithmetic3A_411 = arith.constant 5 : i32
      %shift_right_arithmetic3A_412 = arith.shrsi %scan3A_410, %shift_right_arithmetic3A_411 : i32
      %and3A_413 = arith.constant 31 : i32
      %and3A_414 = arith.andi %scan3A_410, %and3A_413 : i32
      %shift_left3A_415 = arith.constant 4 : i32
      %shift_left3A_416 = arith.shli %and3A_414, %shift_left3A_415 : i32
      %multiple_of3A_417 = tpu.assume_multiple %shift_left3A_416, 16 : i32
      %shift_right_arithmetic3A_418 = arith.constant 3 : i32
      %shift_right_arithmetic3A_419 = arith.shrsi %scan3A_410, %shift_right_arithmetic3A_418 : i32
      %and3A_420 = arith.constant 7 : i32
      %and3A_421 = arith.andi %scan3A_410, %and3A_420 : i32
      %shift_left3A_422 = arith.constant 4 : i32
      %shift_left3A_423 = arith.shli %and3A_421, %shift_left3A_422 : i32
      %multiple_of3A_424 = tpu.assume_multiple %shift_left3A_423, 16 : i32
      %get3A_425 = arith.index_cast %shift_right_arithmetic3A_419 : i32 to index
      %get3A_426 = arith.index_cast %multiple_of3A_424 : i32 to index
      %get3A_427 = tpu.vector_load %arg7[%get3A_425, %get3A_426] {strides = array<i32>} : memref<64x128xi32, #tpu.memory_space<vmem>>, vector<16xi32>,
      %convert_element_type3A_428 = arith.sitofp %get3A_427 : vector<16xi32> to vector<16xf32>
      %get3A_429 = arith.index_cast %shift_right_arithmetic3A_412 : i32 to index
      %get3A_430 = arith.index_cast %multiple_of3A_417 : i32 to index
      %get3A_431 = tpu.vector_load %arg5[%get3A_429, %get3A_430] {strides = array<i32>} : memref<48x512xf32, #tpu.memory_space<vmem>>, vector<16xf32>,
      %add3A_432 = arith.constant 16 : i32
      %add3A_433 = arith.addi %shift_right_arithmetic3A_412, %add3A_432 : i32
      %get3A_434 = arith.index_cast %add3A_433 : i32 to index
      %get3A_435 = arith.index_cast %multiple_of3A_417 : i32 to index
      %get3A_436 = tpu.vector_load %arg5[%get3A_434, %get3A_435] {strides = array<i32>} : memref<48x512xf32, #tpu.memory_space<vmem>>, vector<16xf32>,
      %add3A_437 = arith.addf %get3A_431, %get3A_436 : vector<16xf32>
      %add3A_438 = arith.constant 32 : i32
      %add3A_439 = arith.addi %shift_right_arithmetic3A_412, %add3A_438 : i32
      %get3A_440 = arith.index_cast %add3A_439 : i32 to index
      %get3A_441 = arith.index_cast %multiple_of3A_417 : i32 to index
      %get3A_442 = tpu.vector_load %arg5[%get3A_440, %get3A_441] {strides = array<i32>} : memref<48x512xf32, #tpu.memory_space<vmem>>, vector<16xf32>,
      %add3A_443 = arith.addf %add3A_437, %get3A_442 : vector<16xf32>
      %mul3A_444 = arith.mulf %add3A_443, %convert_element_type3A_428 : vector<16xf32>
      %add3A_445 = arith.addf %add3A_402, %add3A_443 : vector<16xf32>
      %add3A_446 = arith.addf %add3A_403, %mul3A_444 : vector<16xf32>
      %mul3A_447 = arith.mulf %mul3A_444, %convert_element_type3A_428 : vector<16xf32>
      %add3A_448 = arith.addf %add3A_405, %mul3A_447 : vector<16xf32>
      %add3A_449 = arith.addf %add3A_406, %convert_element_type3A_428 : vector<16xf32>
      %mul3A_450 = arith.mulf %convert_element_type3A_428, %convert_element_type3A_428 : vector<16xf32>
      %add3A_451 = arith.addf %add3A_408, %mul3A_450 : vector<16xf32>
      %scan3A_452 = arith.constant 3 : i32
      %scan3A_453 = arith.addi %scan3A_322, %scan3A_452 : i32
      %shift_right_arithmetic3A_454 = arith.constant 5 : i32
      %shift_right_arithmetic3A_455 = arith.shrsi %scan3A_453, %shift_right_arithmetic3A_454 : i32
      %and3A_456 = arith.constant 31 : i32
      %and3A_457 = arith.andi %scan3A_453, %and3A_456 : i32
      %shift_left3A_458 = arith.constant 4 : i32
      %shift_left3A_459 = arith.shli %and3A_457, %shift_left3A_458 : i32
      %multiple_of3A_460 = tpu.assume_multiple %shift_left3A_459, 16 : i32
      %shift_right_arithmetic3A_461 = arith.constant 3 : i32
      %shift_right_arithmetic3A_462 = arith.shrsi %scan3A_453, %shift_right_arithmetic3A_461 : i32
      %and3A_463 = arith.constant 7 : i32
      %and3A_464 = arith.andi %scan3A_453, %and3A_463 : i32
      %shift_left3A_465 = arith.constant 4 : i32
      %shift_left3A_466 = arith.shli %and3A_464, %shift_left3A_465 : i32
      %multiple_of3A_467 = tpu.assume_multiple %shift_left3A_466, 16 : i32
      %get3A_468 = arith.index_cast %shift_right_arithmetic3A_462 : i32 to index
      %get3A_469 = arith.index_cast %multiple_of3A_467 : i32 to index
      %get3A_470 = tpu.vector_load %arg7[%get3A_468, %get3A_469] {strides = array<i32>} : memref<64x128xi32, #tpu.memory_space<vmem>>, vector<16xi32>,
      %convert_element_type3A_471 = arith.sitofp %get3A_470 : vector<16xi32> to vector<16xf32>
      %get3A_472 = arith.index_cast %shift_right_arithmetic3A_455 : i32 to index
      %get3A_473 = arith.index_cast %multiple_of3A_460 : i32 to index
      %get3A_474 = tpu.vector_load %arg5[%get3A_472, %get3A_473] {strides = array<i32>} : memref<48x512xf32, #tpu.memory_space<vmem>>, vector<16xf32>,
      %add3A_475 = arith.constant 16 : i32
      %add3A_476 = arith.addi %shift_right_arithmetic3A_455, %add3A_475 : i32
      %get3A_477 = arith.index_cast %add3A_476 : i32 to index
      %get3A_478 = arith.index_cast %multiple_of3A_460 : i32 to index
      %get3A_479 = tpu.vector_load %arg5[%get3A_477, %get3A_478] {strides = array<i32>} : memref<48x512xf32, #tpu.memory_space<vmem>>, vector<16xf32>,
      %add3A_480 = arith.addf %get3A_474, %get3A_479 : vector<16xf32>
      %add3A_481 = arith.constant 32 : i32
      %add3A_482 = arith.addi %shift_right_arithmetic3A_455, %add3A_481 : i32
      %get3A_483 = arith.index_cast %add3A_482 : i32 to index
      %get3A_484 = arith.index_cast %multiple_of3A_460 : i32 to index
      %get3A_485 = tpu.vector_load %arg5[%get3A_483, %get3A_484] {strides = array<i32>} : memref<48x512xf32, #tpu.memory_space<vmem>>, vector<16xf32>,
      %add3A_486 = arith.addf %add3A_480, %get3A_485 : vector<16xf32>
      %mul3A_487 = arith.mulf %add3A_486, %convert_element_type3A_471 : vector<16xf32>
      %add3A_488 = arith.addf %add3A_445, %add3A_486 : vector<16xf32>
      %add3A_489 = arith.addf %add3A_446, %mul3A_487 : vector<16xf32>
      %mul3A_490 = arith.mulf %mul3A_487, %convert_element_type3A_471 : vector<16xf32>
      %add3A_491 = arith.addf %add3A_448, %mul3A_490 : vector<16xf32>
      %add3A_492 = arith.addf %add3A_449, %convert_element_type3A_471 : vector<16xf32>
      %mul3A_493 = arith.mulf %convert_element_type3A_471, %convert_element_type3A_471 : vector<16xf32>
      %add3A_494 = arith.addf %add3A_451, %mul3A_493 : vector<16xf32>
      scf.yield %add3A_488, %add3A_489, %add3A_491, %add3A_492, %add3A_494 : vector<16xf32>, vector<16xf32>, vector<16xf32>, vector<16xf32>, vector<16xf32>
    }
    %scan3A_161 = arith.constant 512 : i32
    %add3A_162 = arith.constant 32 : i32
    %add3A_163 = arith.addi %mul3A_2, %add3A_162 : i32
    %shift_right_arithmetic3A_164 = arith.constant 9 : i32
    %shift_right_arithmetic3A_165 = arith.shrsi %add3A_163, %shift_right_arithmetic3A_164 : i32
    %and3A_166 = arith.constant 511 : i32
    %and3A_167 = arith.andi %add3A_163, %and3A_166 : i32
    %mul3A_168 = arith.constant 1536 : i32
    %mul3A_169 = arith.muli %shift_right_arithmetic3A_165, %mul3A_168 : i32
    %add3A_170 = arith.constant 0 : i32
    %add3A_171 = arith.addi %mul3A_169, %add3A_170 : i32
    %add3A_172 = arith.addi %add3A_171, %and3A_167 : i32
    %multiple_of3A_173 = tpu.assume_multiple %add3A_172, 16 : i32
    %dma_start3A_174 = arith.constant 0 : i32
    %dma_start3A_175 = arith.constant 0 : i32
    %dma_start3A_176 = tpu.memref_slice %arg5[%dma_start3A_174, %dma_start3A_175] : memref<48x512xf32, #tpu.memory_space<vmem>> -> memref<16x512xf32, #tpu.memory_space<vmem>>
    %dma_start3A_177 = arith.constant 0 : i32
    %dma_start3A_178 = tpu.memref_slice %arg2[%multiple_of3A_173, %dma_start3A_177] : memref<12288x512xf32, #tpu.memory_space<hbm>> -> memref<16x512xf32, #tpu.memory_space<hbm>>
    %dma_start3A_179 = arith.constant 0 : i32
    %dma_start3A_180 = arith.constant 0 : i32
    %dma_start3A_181 = tpu.memref_slice %arg5[%dma_start3A_179, %dma_start3A_180] : memref<48x512xf32, #tpu.memory_space<vmem>> -> memref<16x512xf32, #tpu.memory_space<vmem>>
    %dma_start3A_182 = arith.constant 0 : i32
    %dma_start3A_183 = tpu.memref_slice %arg2[%multiple_of3A_173, %dma_start3A_182] : memref<12288x512xf32, #tpu.memory_space<hbm>> -> memref<16x512xf32, #tpu.memory_space<hbm>>
    tpu.enqueue_dma source(%dma_start3A_183 : memref<16x512xf32, #tpu.memory_space<hbm>>) target(%dma_start3A_181 : memref<16x512xf32, #tpu.memory_space<vmem>>) target_semaphore(%arg10 : memref<!tpu.dma_semaphore, #tpu.memory_space<semaphore_mem>>)
    %mul3A_184 = arith.constant 1536 : i32
    %mul3A_185 = arith.muli %shift_right_arithmetic3A_165, %mul3A_184 : i32
    %add3A_186 = arith.constant 512 : i32
    %add3A_187 = arith.addi %mul3A_185, %add3A_186 : i32
    %add3A_188 = arith.addi %add3A_187, %and3A_167 : i32
    %multiple_of3A_189 = tpu.assume_multiple %add3A_188, 16 : i32
    %dma_start3A_190 = arith.constant 16 : i32
    %dma_start3A_191 = arith.constant 0 : i32
    %dma_start3A_192 = tpu.memref_slice %arg5[%dma_start3A_190, %dma_start3A_191] : memref<48x512xf32, #tpu.memory_space<vmem>> -> memref<16x512xf32, #tpu.memory_space<vmem>>
    %dma_start3A_193 = arith.constant 0 : i32
    %dma_start3A_194 = tpu.memref_slice %arg2[%multiple_of3A_189, %dma_start3A_193] : memref<12288x512xf32, #tpu.memory_space<hbm>> -> memref<16x512xf32, #tpu.memory_space<hbm>>
    %dma_start3A_195 = arith.constant 16 : i32
    %dma_start3A_196 = arith.constant 0 : i32
    %dma_start3A_197 = tpu.memref_slice %arg5[%dma_start3A_195, %dma_start3A_196] : memref<48x512xf32, #tpu.memory_space<vmem>> -> memref<16x512xf32, #tpu.memory_space<vmem>>
    %dma_start3A_198 = arith.constant 0 : i32
    %dma_start3A_199 = tpu.memref_slice %arg2[%multiple_of3A_189, %dma_start3A_198] : memref<12288x512xf32, #tpu.memory_space<hbm>> -> memref<16x512xf32, #tpu.memory_space<hbm>>
    tpu.enqueue_dma source(%dma_start3A_199 : memref<16x512xf32, #tpu.memory_space<hbm>>) target(%dma_start3A_197 : memref<16x512xf32, #tpu.memory_space<vmem>>) target_semaphore(%arg10 : memref<!tpu.dma_semaphore, #tpu.memory_space<semaphore_mem>>)
    %mul3A_200 = arith.constant 1536 : i32
    %mul3A_201 = arith.muli %shift_right_arithmetic3A_165, %mul3A_200 : i32
    %add3A_202 = arith.constant 1024 : i32
    %add3A_203 = arith.addi %mul3A_201, %add3A_202 : i32
    %add3A_204 = arith.addi %add3A_203, %and3A_167 : i32
    %multiple_of3A_205 = tpu.assume_multiple %add3A_204, 16 : i32
    %dma_start3A_206 = arith.constant 32 : i32
    %dma_start3A_207 = arith.constant 0 : i32
    %dma_start3A_208 = tpu.memref_slice %arg5[%dma_start3A_206, %dma_start3A_207] : memref<48x512xf32, #tpu.memory_space<vmem>> -> memref<16x512xf32, #tpu.memory_space<vmem>>
    %dma_start3A_209 = arith.constant 0 : i32
    %dma_start3A_210 = tpu.memref_slice %arg2[%multiple_of3A_205, %dma_start3A_209] : memref<12288x512xf32, #tpu.memory_space<hbm>> -> memref<16x512xf32, #tpu.memory_space<hbm>>
    %dma_start3A_211 = arith.constant 32 : i32
    %dma_start3A_212 = arith.constant 0 : i32
    %dma_start3A_213 = tpu.memref_slice %arg5[%dma_start3A_211, %dma_start3A_212] : memref<48x512xf32, #tpu.memory_space<vmem>> -> memref<16x512xf32, #tpu.memory_space<vmem>>
    %dma_start3A_214 = arith.constant 0 : i32
    %dma_start3A_215 = tpu.memref_slice %arg2[%multiple_of3A_205, %dma_start3A_214] : memref<12288x512xf32, #tpu.memory_space<hbm>> -> memref<16x512xf32, #tpu.memory_space<hbm>>
    tpu.enqueue_dma source(%dma_start3A_215 : memref<16x512xf32, #tpu.memory_space<hbm>>) target(%dma_start3A_213 : memref<16x512xf32, #tpu.memory_space<vmem>>) target_semaphore(%arg10 : memref<!tpu.dma_semaphore, #tpu.memory_space<semaphore_mem>>)
    %add3A_216 = arith.constant 128 : i32
    %add3A_217 = arith.addi %mul3A_4, %add3A_216 : i32
    %multiple_of3A_218 = tpu.assume_multiple %add3A_217, 64 : i32
    %dma_start3A_219 = arith.constant 0 : i32
    %dma_start3A_220 = tpu.memref_slice %arg3[%multiple_of3A_218, %dma_start3A_219] : memref<16384x128xi32, #tpu.memory_space<hbm>> -> memref<64x128xi32, #tpu.memory_space<hbm>>
    %dma_start3A_221 = arith.constant 0 : i32
    %dma_start3A_222 = tpu.memref_slice %arg3[%multiple_of3A_218, %dma_start3A_221] : memref<16384x128xi32, #tpu.memory_space<hbm>> -> memref<64x128xi32, #tpu.memory_space<hbm>>
    tpu.enqueue_dma source(%dma_start3A_222 : memref<64x128xi32, #tpu.memory_space<hbm>>) target(%arg7 : memref<64x128xi32, #tpu.memory_space<vmem>>) target_semaphore(%arg12 : memref<!tpu.dma_semaphore, #tpu.memory_space<semaphore_mem>>)
    %dma_wait3A_223 = arith.constant 0 : i32
    %dma_wait3A_224 = arith.constant 0 : i32
    %dma_wait3A_225 = tpu.memref_slice %arg6[%dma_wait3A_223, %dma_wait3A_224] : memref<48x512xf32, #tpu.memory_space<vmem>> -> memref<16x512xf32, #tpu.memory_space<vmem>>
    %dma_wait3A_226 = arith.constant 0 : i32
    %dma_wait3A_227 = tpu.memref_slice %arg2[%multiple_of3A_74, %dma_wait3A_226] : memref<12288x512xf32, #tpu.memory_space<hbm>> -> memref<16x512xf32, #tpu.memory_space<hbm>>
    %dma_wait3A_228 = arith.constant 0 : i32
    %dma_wait3A_229 = arith.constant 0 : i32
    %dma_wait3A_230 = tpu.memref_slice %arg6[%dma_wait3A_228, %dma_wait3A_229] : memref<48x512xf32, #tpu.memory_space<vmem>> -> memref<16x512xf32, #tpu.memory_space<vmem>>
    %dma_wait3A_231 = arith.constant 0 : i32
    %dma_wait3A_232 = tpu.memref_slice %arg2[%multiple_of3A_74, %dma_wait3A_231] : memref<12288x512xf32, #tpu.memory_space<hbm>> -> memref<16x512xf32, #tpu.memory_space<hbm>>
    tpu.wait_dma2 semaphore(%arg11 : memref<!tpu.dma_semaphore, #tpu.memory_space<semaphore_mem>>) src(%dma_wait3A_232 : memref<16x512xf32, #tpu.memory_space<hbm>>) dst(%dma_wait3A_230 : memref<16x512xf32, #tpu.memory_space<vmem>>)
    %dma_wait3A_233 = arith.constant 16 : i32
    %dma_wait3A_234 = arith.constant 0 : i32
    %dma_wait3A_235 = tpu.memref_slice %arg6[%dma_wait3A_233, %dma_wait3A_234] : memref<48x512xf32, #tpu.memory_space<vmem>> -> memref<16x512xf32, #tpu.memory_space<vmem>>
    %dma_wait3A_236 = arith.constant 0 : i32
    %dma_wait3A_237 = tpu.memref_slice %arg2[%multiple_of3A_90, %dma_wait3A_236] : memref<12288x512xf32, #tpu.memory_space<hbm>> -> memref<16x512xf32, #tpu.memory_space<hbm>>
    %dma_wait3A_238 = arith.constant 16 : i32
    %dma_wait3A_239 = arith.constant 0 : i32
    %dma_wait3A_240 = tpu.memref_slice %arg6[%dma_wait3A_238, %dma_wait3A_239] : memref<48x512xf32, #tpu.memory_space<vmem>> -> memref<16x512xf32, #tpu.memory_space<vmem>>
    %dma_wait3A_241 = arith.constant 0 : i32
    %dma_wait3A_242 = tpu.memref_slice %arg2[%multiple_of3A_90, %dma_wait3A_241] : memref<12288x512xf32, #tpu.memory_space<hbm>> -> memref<16x512xf32, #tpu.memory_space<hbm>>
    tpu.wait_dma2 semaphore(%arg11 : memref<!tpu.dma_semaphore, #tpu.memory_space<semaphore_mem>>) src(%dma_wait3A_242 : memref<16x512xf32, #tpu.memory_space<hbm>>) dst(%dma_wait3A_240 : memref<16x512xf32, #tpu.memory_space<vmem>>)
    %dma_wait3A_243 = arith.constant 32 : i32
    %dma_wait3A_244 = arith.constant 0 : i32
    %dma_wait3A_245 = tpu.memref_slice %arg6[%dma_wait3A_243, %dma_wait3A_244] : memref<48x512xf32, #tpu.memory_space<vmem>> -> memref<16x512xf32, #tpu.memory_space<vmem>>
    %dma_wait3A_246 = arith.constant 0 : i32
    %dma_wait3A_247 = tpu.memref_slice %arg2[%multiple_of3A_106, %dma_wait3A_246] : memref<12288x512xf32, #tpu.memory_space<hbm>> -> memref<16x512xf32, #tpu.memory_space<hbm>>
    %dma_wait3A_248 = arith.constant 32 : i32
    %dma_wait3A_249 = arith.constant 0 : i32
    %dma_wait3A_250 = tpu.memref_slice %arg6[%dma_wait3A_248, %dma_wait3A_249] : memref<48x512xf32, #tpu.memory_space<vmem>> -> memref<16x512xf32, #tpu.memory_space<vmem>>
    %dma_wait3A_251 = arith.constant 0 : i32
    %dma_wait3A_252 = tpu.memref_slice %arg2[%multiple_of3A_106, %dma_wait3A_251] : memref<12288x512xf32, #tpu.memory_space<hbm>> -> memref<16x512xf32, #tpu.memory_space<hbm>>
    tpu.wait_dma2 semaphore(%arg11 : memref<!tpu.dma_semaphore, #tpu.memory_space<semaphore_mem>>) src(%dma_wait3A_252 : memref<16x512xf32, #tpu.memory_space<hbm>>) dst(%dma_wait3A_250 : memref<16x512xf32, #tpu.memory_space<vmem>>)
    %dma_wait3A_253 = arith.constant 0 : i32
    %dma_wait3A_254 = tpu.memref_slice %arg3[%multiple_of3A_119, %dma_wait3A_253] : memref<16384x128xi32, #tpu.memory_space<hbm>> -> memref<64x128xi32, #tpu.memory_space<hbm>>
    %dma_wait3A_255 = arith.constant 0 : i32
    %dma_wait3A_256 = tpu.memref_slice %arg3[%multiple_of3A_119, %dma_wait3A_255] : memref<16384x128xi32, #tpu.memory_space<hbm>> -> memref<64x128xi32, #tpu.memory_space<hbm>>
    tpu.wait_dma2 semaphore(%arg13 : memref<!tpu.dma_semaphore, #tpu.memory_space<semaphore_mem>>) src(%dma_wait3A_256 : memref<64x128xi32, #tpu.memory_space<hbm>>) dst(%arg8 : memref<64x128xi32, #tpu.memory_space<vmem>>)
    %scan3A_257 = arith.constant 0 : i32
    %scan3A_258 = arith.constant 512 : i32
    %scan3A_259 = arith.addi %scan3A_257, %scan3A_258 : i32
    %scan3A_260 = arith.constant 4 : i32
    %scan3A_261:5 = scf.for %scan3A_322 = %scan3A_257 to %scan3A_259 step %scan3A_260 iter_args(%scan3A_323 = %scan3A_160#0, %scan3A_324 = %scan3A_160#1, %scan3A_325 = %scan3A_160#2, %scan3A_326 = %scan3A_160#3, %scan3A_327 = %scan3A_160#4) -> (vector<16xf32>, vector<16xf32>, vector<16xf32>, vector<16xf32>, vector<16xf32>)  : i32 {
      %shift_right_arithmetic3A_328 = arith.constant 5 : i32
      %shift_right_arithmetic3A_329 = arith.shrsi %scan3A_322, %shift_right_arithmetic3A_328 : i32
      %and3A_330 = arith.constant 31 : i32
      %and3A_331 = arith.andi %scan3A_322, %and3A_330 : i32
      %shift_left3A = arith.constant 4 : i32
      %shift_left3A_332 = arith.shli %and3A_331, %shift_left3A : i32
      %multiple_of3A_333 = tpu.assume_multiple %shift_left3A_332, 16 : i32
      %shift_right_arithmetic3A_334 = arith.constant 3 : i32
      %shift_right_arithmetic3A_335 = arith.shrsi %scan3A_322, %shift_right_arithmetic3A_334 : i32
      %and3A_336 = arith.constant 7 : i32
      %and3A_337 = arith.andi %scan3A_322, %and3A_336 : i32
      %shift_left3A_338 = arith.constant 4 : i32
      %shift_left3A_339 = arith.shli %and3A_337, %shift_left3A_338 : i32
      %multiple_of3A_340 = tpu.assume_multiple %shift_left3A_339, 16 : i32
      %get3A = arith.index_cast %shift_right_arithmetic3A_335 : i32 to index
      %get3A_341 = arith.index_cast %multiple_of3A_340 : i32 to index
      %get3A_342 = tpu.vector_load %arg8[%get3A, %get3A_341] {strides = array<i32>} : memref<64x128xi32, #tpu.memory_space<vmem>>, vector<16xi32>,
      %convert_element_type3A = arith.sitofp %get3A_342 : vector<16xi32> to vector<16xf32>
      %get3A_343 = arith.index_cast %shift_right_arithmetic3A_329 : i32 to index
      %get3A_344 = arith.index_cast %multiple_of3A_333 : i32 to index
      %get3A_345 = tpu.vector_load %arg6[%get3A_343, %get3A_344] {strides = array<i32>} : memref<48x512xf32, #tpu.memory_space<vmem>>, vector<16xf32>,
      %add3A_346 = arith.constant 16 : i32
      %add3A_347 = arith.addi %shift_right_arithmetic3A_329, %add3A_346 : i32
      %get3A_348 = arith.index_cast %add3A_347 : i32 to index
      %get3A_349 = arith.index_cast %multiple_of3A_333 : i32 to index
      %get3A_350 = tpu.vector_load %arg6[%get3A_348, %get3A_349] {strides = array<i32>} : memref<48x512xf32, #tpu.memory_space<vmem>>, vector<16xf32>,
      %add3A_351 = arith.addf %get3A_345, %get3A_350 : vector<16xf32>
      %add3A_352 = arith.constant 32 : i32
      %add3A_353 = arith.addi %shift_right_arithmetic3A_329, %add3A_352 : i32
      %get3A_354 = arith.index_cast %add3A_353 : i32 to index
      %get3A_355 = arith.index_cast %multiple_of3A_333 : i32 to index
      %get3A_356 = tpu.vector_load %arg6[%get3A_354, %get3A_355] {strides = array<i32>} : memref<48x512xf32, #tpu.memory_space<vmem>>, vector<16xf32>,
      %add3A_357 = arith.addf %add3A_351, %get3A_356 : vector<16xf32>
      %mul3A_358 = arith.mulf %add3A_357, %convert_element_type3A : vector<16xf32>
      %add3A_359 = arith.addf %scan3A_323, %add3A_357 : vector<16xf32>
      %add3A_360 = arith.addf %scan3A_324, %mul3A_358 : vector<16xf32>
      %mul3A_361 = arith.mulf %mul3A_358, %convert_element_type3A : vector<16xf32>
      %add3A_362 = arith.addf %scan3A_325, %mul3A_361 : vector<16xf32>
      %add3A_363 = arith.addf %scan3A_326, %convert_element_type3A : vector<16xf32>
      %mul3A_364 = arith.mulf %convert_element_type3A, %convert_element_type3A : vector<16xf32>
      %add3A_365 = arith.addf %scan3A_327, %mul3A_364 : vector<16xf32>
      %scan3A_366 = arith.constant 1 : i32
      %scan3A_367 = arith.addi %scan3A_322, %scan3A_366 : i32
      %shift_right_arithmetic3A_368 = arith.constant 5 : i32
      %shift_right_arithmetic3A_369 = arith.shrsi %scan3A_367, %shift_right_arithmetic3A_368 : i32
      %and3A_370 = arith.constant 31 : i32
      %and3A_371 = arith.andi %scan3A_367, %and3A_370 : i32
      %shift_left3A_372 = arith.constant 4 : i32
      %shift_left3A_373 = arith.shli %and3A_371, %shift_left3A_372 : i32
      %multiple_of3A_374 = tpu.assume_multiple %shift_left3A_373, 16 : i32
      %shift_right_arithmetic3A_375 = arith.constant 3 : i32
      %shift_right_arithmetic3A_376 = arith.shrsi %scan3A_367, %shift_right_arithmetic3A_375 : i32
      %and3A_377 = arith.constant 7 : i32
      %and3A_378 = arith.andi %scan3A_367, %and3A_377 : i32
      %shift_left3A_379 = arith.constant 4 : i32
      %shift_left3A_380 = arith.shli %and3A_378, %shift_left3A_379 : i32
      %multiple_of3A_381 = tpu.assume_multiple %shift_left3A_380, 16 : i32
      %get3A_382 = arith.index_cast %shift_right_arithmetic3A_376 : i32 to index
      %get3A_383 = arith.index_cast %multiple_of3A_381 : i32 to index
      %get3A_384 = tpu.vector_load %arg8[%get3A_382, %get3A_383] {strides = array<i32>} : memref<64x128xi32, #tpu.memory_space<vmem>>, vector<16xi32>,
      %convert_element_type3A_385 = arith.sitofp %get3A_384 : vector<16xi32> to vector<16xf32>
      %get3A_386 = arith.index_cast %shift_right_arithmetic3A_369 : i32 to index
      %get3A_387 = arith.index_cast %multiple_of3A_374 : i32 to index
      %get3A_388 = tpu.vector_load %arg6[%get3A_386, %get3A_387] {strides = array<i32>} : memref<48x512xf32, #tpu.memory_space<vmem>>, vector<16xf32>,
      %add3A_389 = arith.constant 16 : i32
      %add3A_390 = arith.addi %shift_right_arithmetic3A_369, %add3A_389 : i32
      %get3A_391 = arith.index_cast %add3A_390 : i32 to index
      %get3A_392 = arith.index_cast %multiple_of3A_374 : i32 to index
      %get3A_393 = tpu.vector_load %arg6[%get3A_391, %get3A_392] {strides = array<i32>} : memref<48x512xf32, #tpu.memory_space<vmem>>, vector<16xf32>,
      %add3A_394 = arith.addf %get3A_388, %get3A_393 : vector<16xf32>
      %add3A_395 = arith.constant 32 : i32
      %add3A_396 = arith.addi %shift_right_arithmetic3A_369, %add3A_395 : i32
      %get3A_397 = arith.index_cast %add3A_396 : i32 to index
      %get3A_398 = arith.index_cast %multiple_of3A_374 : i32 to index
      %get3A_399 = tpu.vector_load %arg6[%get3A_397, %get3A_398] {strides = array<i32>} : memref<48x512xf32, #tpu.memory_space<vmem>>, vector<16xf32>,
      %add3A_400 = arith.addf %add3A_394, %get3A_399 : vector<16xf32>
      %mul3A_401 = arith.mulf %add3A_400, %convert_element_type3A_385 : vector<16xf32>
      %add3A_402 = arith.addf %add3A_359, %add3A_400 : vector<16xf32>
      %add3A_403 = arith.addf %add3A_360, %mul3A_401 : vector<16xf32>
      %mul3A_404 = arith.mulf %mul3A_401, %convert_element_type3A_385 : vector<16xf32>
      %add3A_405 = arith.addf %add3A_362, %mul3A_404 : vector<16xf32>
      %add3A_406 = arith.addf %add3A_363, %convert_element_type3A_385 : vector<16xf32>
      %mul3A_407 = arith.mulf %convert_element_type3A_385, %convert_element_type3A_385 : vector<16xf32>
      %add3A_408 = arith.addf %add3A_365, %mul3A_407 : vector<16xf32>
      %scan3A_409 = arith.constant 2 : i32
      %scan3A_410 = arith.addi %scan3A_322, %scan3A_409 : i32
      %shift_right_arithmetic3A_411 = arith.constant 5 : i32
      %shift_right_arithmetic3A_412 = arith.shrsi %scan3A_410, %shift_right_arithmetic3A_411 : i32
      %and3A_413 = arith.constant 31 : i32
      %and3A_414 = arith.andi %scan3A_410, %and3A_413 : i32
      %shift_left3A_415 = arith.constant 4 : i32
      %shift_left3A_416 = arith.shli %and3A_414, %shift_left3A_415 : i32
      %multiple_of3A_417 = tpu.assume_multiple %shift_left3A_416, 16 : i32
      %shift_right_arithmetic3A_418 = arith.constant 3 : i32
      %shift_right_arithmetic3A_419 = arith.shrsi %scan3A_410, %shift_right_arithmetic3A_418 : i32
      %and3A_420 = arith.constant 7 : i32
      %and3A_421 = arith.andi %scan3A_410, %and3A_420 : i32
      %shift_left3A_422 = arith.constant 4 : i32
      %shift_left3A_423 = arith.shli %and3A_421, %shift_left3A_422 : i32
      %multiple_of3A_424 = tpu.assume_multiple %shift_left3A_423, 16 : i32
      %get3A_425 = arith.index_cast %shift_right_arithmetic3A_419 : i32 to index
      %get3A_426 = arith.index_cast %multiple_of3A_424 : i32 to index
      %get3A_427 = tpu.vector_load %arg8[%get3A_425, %get3A_426] {strides = array<i32>} : memref<64x128xi32, #tpu.memory_space<vmem>>, vector<16xi32>,
      %convert_element_type3A_428 = arith.sitofp %get3A_427 : vector<16xi32> to vector<16xf32>
      %get3A_429 = arith.index_cast %shift_right_arithmetic3A_412 : i32 to index
      %get3A_430 = arith.index_cast %multiple_of3A_417 : i32 to index
      %get3A_431 = tpu.vector_load %arg6[%get3A_429, %get3A_430] {strides = array<i32>} : memref<48x512xf32, #tpu.memory_space<vmem>>, vector<16xf32>,
      %add3A_432 = arith.constant 16 : i32
      %add3A_433 = arith.addi %shift_right_arithmetic3A_412, %add3A_432 : i32
      %get3A_434 = arith.index_cast %add3A_433 : i32 to index
      %get3A_435 = arith.index_cast %multiple_of3A_417 : i32 to index
      %get3A_436 = tpu.vector_load %arg6[%get3A_434, %get3A_435] {strides = array<i32>} : memref<48x512xf32, #tpu.memory_space<vmem>>, vector<16xf32>,
      %add3A_437 = arith.addf %get3A_431, %get3A_436 : vector<16xf32>
      %add3A_438 = arith.constant 32 : i32
      %add3A_439 = arith.addi %shift_right_arithmetic3A_412, %add3A_438 : i32
      %get3A_440 = arith.index_cast %add3A_439 : i32 to index
      %get3A_441 = arith.index_cast %multiple_of3A_417 : i32 to index
      %get3A_442 = tpu.vector_load %arg6[%get3A_440, %get3A_441] {strides = array<i32>} : memref<48x512xf32, #tpu.memory_space<vmem>>, vector<16xf32>,
      %add3A_443 = arith.addf %add3A_437, %get3A_442 : vector<16xf32>
      %mul3A_444 = arith.mulf %add3A_443, %convert_element_type3A_428 : vector<16xf32>
      %add3A_445 = arith.addf %add3A_402, %add3A_443 : vector<16xf32>
      %add3A_446 = arith.addf %add3A_403, %mul3A_444 : vector<16xf32>
      %mul3A_447 = arith.mulf %mul3A_444, %convert_element_type3A_428 : vector<16xf32>
      %add3A_448 = arith.addf %add3A_405, %mul3A_447 : vector<16xf32>
      %add3A_449 = arith.addf %add3A_406, %convert_element_type3A_428 : vector<16xf32>
      %mul3A_450 = arith.mulf %convert_element_type3A_428, %convert_element_type3A_428 : vector<16xf32>
      %add3A_451 = arith.addf %add3A_408, %mul3A_450 : vector<16xf32>
      %scan3A_452 = arith.constant 3 : i32
      %scan3A_453 = arith.addi %scan3A_322, %scan3A_452 : i32
      %shift_right_arithmetic3A_454 = arith.constant 5 : i32
      %shift_right_arithmetic3A_455 = arith.shrsi %scan3A_453, %shift_right_arithmetic3A_454 : i32
      %and3A_456 = arith.constant 31 : i32
      %and3A_457 = arith.andi %scan3A_453, %and3A_456 : i32
      %shift_left3A_458 = arith.constant 4 : i32
      %shift_left3A_459 = arith.shli %and3A_457, %shift_left3A_458 : i32
      %multiple_of3A_460 = tpu.assume_multiple %shift_left3A_459, 16 : i32
      %shift_right_arithmetic3A_461 = arith.constant 3 : i32
      %shift_right_arithmetic3A_462 = arith.shrsi %scan3A_453, %shift_right_arithmetic3A_461 : i32
      %and3A_463 = arith.constant 7 : i32
      %and3A_464 = arith.andi %scan3A_453, %and3A_463 : i32
      %shift_left3A_465 = arith.constant 4 : i32
      %shift_left3A_466 = arith.shli %and3A_464, %shift_left3A_465 : i32
      %multiple_of3A_467 = tpu.assume_multiple %shift_left3A_466, 16 : i32
      %get3A_468 = arith.index_cast %shift_right_arithmetic3A_462 : i32 to index
      %get3A_469 = arith.index_cast %multiple_of3A_467 : i32 to index
      %get3A_470 = tpu.vector_load %arg8[%get3A_468, %get3A_469] {strides = array<i32>} : memref<64x128xi32, #tpu.memory_space<vmem>>, vector<16xi32>,
      %convert_element_type3A_471 = arith.sitofp %get3A_470 : vector<16xi32> to vector<16xf32>
      %get3A_472 = arith.index_cast %shift_right_arithmetic3A_455 : i32 to index
      %get3A_473 = arith.index_cast %multiple_of3A_460 : i32 to index
      %get3A_474 = tpu.vector_load %arg6[%get3A_472, %get3A_473] {strides = array<i32>} : memref<48x512xf32, #tpu.memory_space<vmem>>, vector<16xf32>,
      %add3A_475 = arith.constant 16 : i32
      %add3A_476 = arith.addi %shift_right_arithmetic3A_455, %add3A_475 : i32
      %get3A_477 = arith.index_cast %add3A_476 : i32 to index
      %get3A_478 = arith.index_cast %multiple_of3A_460 : i32 to index
      %get3A_479 = tpu.vector_load %arg6[%get3A_477, %get3A_478] {strides = array<i32>} : memref<48x512xf32, #tpu.memory_space<vmem>>, vector<16xf32>,
      %add3A_480 = arith.addf %get3A_474, %get3A_479 : vector<16xf32>
      %add3A_481 = arith.constant 32 : i32
      %add3A_482 = arith.addi %shift_right_arithmetic3A_455, %add3A_481 : i32
      %get3A_483 = arith.index_cast %add3A_482 : i32 to index
      %get3A_484 = arith.index_cast %multiple_of3A_460 : i32 to index
      %get3A_485 = tpu.vector_load %arg6[%get3A_483, %get3A_484] {strides = array<i32>} : memref<48x512xf32, #tpu.memory_space<vmem>>, vector<16xf32>,
      %add3A_486 = arith.addf %add3A_480, %get3A_485 : vector<16xf32>
      %mul3A_487 = arith.mulf %add3A_486, %convert_element_type3A_471 : vector<16xf32>
      %add3A_488 = arith.addf %add3A_445, %add3A_486 : vector<16xf32>
      %add3A_489 = arith.addf %add3A_446, %mul3A_487 : vector<16xf32>
      %mul3A_490 = arith.mulf %mul3A_487, %convert_element_type3A_471 : vector<16xf32>
      %add3A_491 = arith.addf %add3A_448, %mul3A_490 : vector<16xf32>
      %add3A_492 = arith.addf %add3A_449, %convert_element_type3A_471 : vector<16xf32>
      %mul3A_493 = arith.mulf %convert_element_type3A_471, %convert_element_type3A_471 : vector<16xf32>
      %add3A_494 = arith.addf %add3A_451, %mul3A_493 : vector<16xf32>
      scf.yield %add3A_488, %add3A_489, %add3A_491, %add3A_492, %add3A_494 : vector<16xf32>, vector<16xf32>, vector<16xf32>, vector<16xf32>, vector<16xf32>
    }
    %scan3A_262 = arith.constant 512 : i32
    %dma_wait3A_263 = arith.constant 0 : i32
    %dma_wait3A_264 = arith.constant 0 : i32
    %dma_wait3A_265 = tpu.memref_slice %arg5[%dma_wait3A_263, %dma_wait3A_264] : memref<48x512xf32, #tpu.memory_space<vmem>> -> memref<16x512xf32, #tpu.memory_space<vmem>>
    %dma_wait3A_266 = arith.constant 0 : i32
    %dma_wait3A_267 = tpu.memref_slice %arg2[%multiple_of3A_173, %dma_wait3A_266] : memref<12288x512xf32, #tpu.memory_space<hbm>> -> memref<16x512xf32, #tpu.memory_space<hbm>>
    %dma_wait3A_268 = arith.constant 0 : i32
    %dma_wait3A_269 = arith.constant 0 : i32
    %dma_wait3A_270 = tpu.memref_slice %arg5[%dma_wait3A_268, %dma_wait3A_269] : memref<48x512xf32, #tpu.memory_space<vmem>> -> memref<16x512xf32, #tpu.memory_space<vmem>>
    %dma_wait3A_271 = arith.constant 0 : i32
    %dma_wait3A_272 = tpu.memref_slice %arg2[%multiple_of3A_173, %dma_wait3A_271] : memref<12288x512xf32, #tpu.memory_space<hbm>> -> memref<16x512xf32, #tpu.memory_space<hbm>>
    tpu.wait_dma2 semaphore(%arg10 : memref<!tpu.dma_semaphore, #tpu.memory_space<semaphore_mem>>) src(%dma_wait3A_272 : memref<16x512xf32, #tpu.memory_space<hbm>>) dst(%dma_wait3A_270 : memref<16x512xf32, #tpu.memory_space<vmem>>)
    %dma_wait3A_273 = arith.constant 16 : i32
    %dma_wait3A_274 = arith.constant 0 : i32
    %dma_wait3A_275 = tpu.memref_slice %arg5[%dma_wait3A_273, %dma_wait3A_274] : memref<48x512xf32, #tpu.memory_space<vmem>> -> memref<16x512xf32, #tpu.memory_space<vmem>>
    %dma_wait3A_276 = arith.constant 0 : i32
    %dma_wait3A_277 = tpu.memref_slice %arg2[%multiple_of3A_189, %dma_wait3A_276] : memref<12288x512xf32, #tpu.memory_space<hbm>> -> memref<16x512xf32, #tpu.memory_space<hbm>>
    %dma_wait3A_278 = arith.constant 16 : i32
    %dma_wait3A_279 = arith.constant 0 : i32
    %dma_wait3A_280 = tpu.memref_slice %arg5[%dma_wait3A_278, %dma_wait3A_279] : memref<48x512xf32, #tpu.memory_space<vmem>> -> memref<16x512xf32, #tpu.memory_space<vmem>>
    %dma_wait3A_281 = arith.constant 0 : i32
    %dma_wait3A_282 = tpu.memref_slice %arg2[%multiple_of3A_189, %dma_wait3A_281] : memref<12288x512xf32, #tpu.memory_space<hbm>> -> memref<16x512xf32, #tpu.memory_space<hbm>>
    tpu.wait_dma2 semaphore(%arg10 : memref<!tpu.dma_semaphore, #tpu.memory_space<semaphore_mem>>) src(%dma_wait3A_282 : memref<16x512xf32, #tpu.memory_space<hbm>>) dst(%dma_wait3A_280 : memref<16x512xf32, #tpu.memory_space<vmem>>)
    %dma_wait3A_283 = arith.constant 32 : i32
    %dma_wait3A_284 = arith.constant 0 : i32
    %dma_wait3A_285 = tpu.memref_slice %arg5[%dma_wait3A_283, %dma_wait3A_284] : memref<48x512xf32, #tpu.memory_space<vmem>> -> memref<16x512xf32, #tpu.memory_space<vmem>>
    %dma_wait3A_286 = arith.constant 0 : i32
    %dma_wait3A_287 = tpu.memref_slice %arg2[%multiple_of3A_205, %dma_wait3A_286] : memref<12288x512xf32, #tpu.memory_space<hbm>> -> memref<16x512xf32, #tpu.memory_space<hbm>>
    %dma_wait3A_288 = arith.constant 32 : i32
    %dma_wait3A_289 = arith.constant 0 : i32
    %dma_wait3A_290 = tpu.memref_slice %arg5[%dma_wait3A_288, %dma_wait3A_289] : memref<48x512xf32, #tpu.memory_space<vmem>> -> memref<16x512xf32, #tpu.memory_space<vmem>>
    %dma_wait3A_291 = arith.constant 0 : i32
    %dma_wait3A_292 = tpu.memref_slice %arg2[%multiple_of3A_205, %dma_wait3A_291] : memref<12288x512xf32, #tpu.memory_space<hbm>> -> memref<16x512xf32, #tpu.memory_space<hbm>>
    tpu.wait_dma2 semaphore(%arg10 : memref<!tpu.dma_semaphore, #tpu.memory_space<semaphore_mem>>) src(%dma_wait3A_292 : memref<16x512xf32, #tpu.memory_space<hbm>>) dst(%dma_wait3A_290 : memref<16x512xf32, #tpu.memory_space<vmem>>)
    %dma_wait3A_293 = arith.constant 0 : i32
    %dma_wait3A_294 = tpu.memref_slice %arg3[%multiple_of3A_218, %dma_wait3A_293] : memref<16384x128xi32, #tpu.memory_space<hbm>> -> memref<64x128xi32, #tpu.memory_space<hbm>>
    %dma_wait3A_295 = arith.constant 0 : i32
    %dma_wait3A_296 = tpu.memref_slice %arg3[%multiple_of3A_218, %dma_wait3A_295] : memref<16384x128xi32, #tpu.memory_space<hbm>> -> memref<64x128xi32, #tpu.memory_space<hbm>>
    tpu.wait_dma2 semaphore(%arg12 : memref<!tpu.dma_semaphore, #tpu.memory_space<semaphore_mem>>) src(%dma_wait3A_296 : memref<64x128xi32, #tpu.memory_space<hbm>>) dst(%arg7 : memref<64x128xi32, #tpu.memory_space<vmem>>)
    %scan3A_297 = arith.constant 0 : i32
    %scan3A_298 = arith.constant 512 : i32
    %scan3A_299 = arith.addi %scan3A_297, %scan3A_298 : i32
    %scan3A_300 = arith.constant 4 : i32
    %scan3A_301:5 = scf.for %scan3A_322 = %scan3A_297 to %scan3A_299 step %scan3A_300 iter_args(%scan3A_323 = %scan3A_261#0, %scan3A_324 = %scan3A_261#1, %scan3A_325 = %scan3A_261#2, %scan3A_326 = %scan3A_261#3, %scan3A_327 = %scan3A_261#4) -> (vector<16xf32>, vector<16xf32>, vector<16xf32>, vector<16xf32>, vector<16xf32>)  : i32 {
      %shift_right_arithmetic3A_328 = arith.constant 5 : i32
      %shift_right_arithmetic3A_329 = arith.shrsi %scan3A_322, %shift_right_arithmetic3A_328 : i32
      %and3A_330 = arith.constant 31 : i32
      %and3A_331 = arith.andi %scan3A_322, %and3A_330 : i32
      %shift_left3A = arith.constant 4 : i32
      %shift_left3A_332 = arith.shli %and3A_331, %shift_left3A : i32
      %multiple_of3A_333 = tpu.assume_multiple %shift_left3A_332, 16 : i32
      %shift_right_arithmetic3A_334 = arith.constant 3 : i32
      %shift_right_arithmetic3A_335 = arith.shrsi %scan3A_322, %shift_right_arithmetic3A_334 : i32
      %and3A_336 = arith.constant 7 : i32
      %and3A_337 = arith.andi %scan3A_322, %and3A_336 : i32
      %shift_left3A_338 = arith.constant 4 : i32
      %shift_left3A_339 = arith.shli %and3A_337, %shift_left3A_338 : i32
      %multiple_of3A_340 = tpu.assume_multiple %shift_left3A_339, 16 : i32
      %get3A = arith.index_cast %shift_right_arithmetic3A_335 : i32 to index
      %get3A_341 = arith.index_cast %multiple_of3A_340 : i32 to index
      %get3A_342 = tpu.vector_load %arg7[%get3A, %get3A_341] {strides = array<i32>} : memref<64x128xi32, #tpu.memory_space<vmem>>, vector<16xi32>,
      %convert_element_type3A = arith.sitofp %get3A_342 : vector<16xi32> to vector<16xf32>
      %get3A_343 = arith.index_cast %shift_right_arithmetic3A_329 : i32 to index
      %get3A_344 = arith.index_cast %multiple_of3A_333 : i32 to index
      %get3A_345 = tpu.vector_load %arg5[%get3A_343, %get3A_344] {strides = array<i32>} : memref<48x512xf32, #tpu.memory_space<vmem>>, vector<16xf32>,
      %add3A_346 = arith.constant 16 : i32
      %add3A_347 = arith.addi %shift_right_arithmetic3A_329, %add3A_346 : i32
      %get3A_348 = arith.index_cast %add3A_347 : i32 to index
      %get3A_349 = arith.index_cast %multiple_of3A_333 : i32 to index
      %get3A_350 = tpu.vector_load %arg5[%get3A_348, %get3A_349] {strides = array<i32>} : memref<48x512xf32, #tpu.memory_space<vmem>>, vector<16xf32>,
      %add3A_351 = arith.addf %get3A_345, %get3A_350 : vector<16xf32>
      %add3A_352 = arith.constant 32 : i32
      %add3A_353 = arith.addi %shift_right_arithmetic3A_329, %add3A_352 : i32
      %get3A_354 = arith.index_cast %add3A_353 : i32 to index
      %get3A_355 = arith.index_cast %multiple_of3A_333 : i32 to index
      %get3A_356 = tpu.vector_load %arg5[%get3A_354, %get3A_355] {strides = array<i32>} : memref<48x512xf32, #tpu.memory_space<vmem>>, vector<16xf32>,
      %add3A_357 = arith.addf %add3A_351, %get3A_356 : vector<16xf32>
      %mul3A_358 = arith.mulf %add3A_357, %convert_element_type3A : vector<16xf32>
      %add3A_359 = arith.addf %scan3A_323, %add3A_357 : vector<16xf32>
      %add3A_360 = arith.addf %scan3A_324, %mul3A_358 : vector<16xf32>
      %mul3A_361 = arith.mulf %mul3A_358, %convert_element_type3A : vector<16xf32>
      %add3A_362 = arith.addf %scan3A_325, %mul3A_361 : vector<16xf32>
      %add3A_363 = arith.addf %scan3A_326, %convert_element_type3A : vector<16xf32>
      %mul3A_364 = arith.mulf %convert_element_type3A, %convert_element_type3A : vector<16xf32>
      %add3A_365 = arith.addf %scan3A_327, %mul3A_364 : vector<16xf32>
      %scan3A_366 = arith.constant 1 : i32
      %scan3A_367 = arith.addi %scan3A_322, %scan3A_366 : i32
      %shift_right_arithmetic3A_368 = arith.constant 5 : i32
      %shift_right_arithmetic3A_369 = arith.shrsi %scan3A_367, %shift_right_arithmetic3A_368 : i32
      %and3A_370 = arith.constant 31 : i32
      %and3A_371 = arith.andi %scan3A_367, %and3A_370 : i32
      %shift_left3A_372 = arith.constant 4 : i32
      %shift_left3A_373 = arith.shli %and3A_371, %shift_left3A_372 : i32
      %multiple_of3A_374 = tpu.assume_multiple %shift_left3A_373, 16 : i32
      %shift_right_arithmetic3A_375 = arith.constant 3 : i32
      %shift_right_arithmetic3A_376 = arith.shrsi %scan3A_367, %shift_right_arithmetic3A_375 : i32
      %and3A_377 = arith.constant 7 : i32
      %and3A_378 = arith.andi %scan3A_367, %and3A_377 : i32
      %shift_left3A_379 = arith.constant 4 : i32
      %shift_left3A_380 = arith.shli %and3A_378, %shift_left3A_379 : i32
      %multiple_of3A_381 = tpu.assume_multiple %shift_left3A_380, 16 : i32
      %get3A_382 = arith.index_cast %shift_right_arithmetic3A_376 : i32 to index
      %get3A_383 = arith.index_cast %multiple_of3A_381 : i32 to index
      %get3A_384 = tpu.vector_load %arg7[%get3A_382, %get3A_383] {strides = array<i32>} : memref<64x128xi32, #tpu.memory_space<vmem>>, vector<16xi32>,
      %convert_element_type3A_385 = arith.sitofp %get3A_384 : vector<16xi32> to vector<16xf32>
      %get3A_386 = arith.index_cast %shift_right_arithmetic3A_369 : i32 to index
      %get3A_387 = arith.index_cast %multiple_of3A_374 : i32 to index
      %get3A_388 = tpu.vector_load %arg5[%get3A_386, %get3A_387] {strides = array<i32>} : memref<48x512xf32, #tpu.memory_space<vmem>>, vector<16xf32>,
      %add3A_389 = arith.constant 16 : i32
      %add3A_390 = arith.addi %shift_right_arithmetic3A_369, %add3A_389 : i32
      %get3A_391 = arith.index_cast %add3A_390 : i32 to index
      %get3A_392 = arith.index_cast %multiple_of3A_374 : i32 to index
      %get3A_393 = tpu.vector_load %arg5[%get3A_391, %get3A_392] {strides = array<i32>} : memref<48x512xf32, #tpu.memory_space<vmem>>, vector<16xf32>,
      %add3A_394 = arith.addf %get3A_388, %get3A_393 : vector<16xf32>
      %add3A_395 = arith.constant 32 : i32
      %add3A_396 = arith.addi %shift_right_arithmetic3A_369, %add3A_395 : i32
      %get3A_397 = arith.index_cast %add3A_396 : i32 to index
      %get3A_398 = arith.index_cast %multiple_of3A_374 : i32 to index
      %get3A_399 = tpu.vector_load %arg5[%get3A_397, %get3A_398] {strides = array<i32>} : memref<48x512xf32, #tpu.memory_space<vmem>>, vector<16xf32>,
      %add3A_400 = arith.addf %add3A_394, %get3A_399 : vector<16xf32>
      %mul3A_401 = arith.mulf %add3A_400, %convert_element_type3A_385 : vector<16xf32>
      %add3A_402 = arith.addf %add3A_359, %add3A_400 : vector<16xf32>
      %add3A_403 = arith.addf %add3A_360, %mul3A_401 : vector<16xf32>
      %mul3A_404 = arith.mulf %mul3A_401, %convert_element_type3A_385 : vector<16xf32>
      %add3A_405 = arith.addf %add3A_362, %mul3A_404 : vector<16xf32>
      %add3A_406 = arith.addf %add3A_363, %convert_element_type3A_385 : vector<16xf32>
      %mul3A_407 = arith.mulf %convert_element_type3A_385, %convert_element_type3A_385 : vector<16xf32>
      %add3A_408 = arith.addf %add3A_365, %mul3A_407 : vector<16xf32>
      %scan3A_409 = arith.constant 2 : i32
      %scan3A_410 = arith.addi %scan3A_322, %scan3A_409 : i32
      %shift_right_arithmetic3A_411 = arith.constant 5 : i32
      %shift_right_arithmetic3A_412 = arith.shrsi %scan3A_410, %shift_right_arithmetic3A_411 : i32
      %and3A_413 = arith.constant 31 : i32
      %and3A_414 = arith.andi %scan3A_410, %and3A_413 : i32
      %shift_left3A_415 = arith.constant 4 : i32
      %shift_left3A_416 = arith.shli %and3A_414, %shift_left3A_415 : i32
      %multiple_of3A_417 = tpu.assume_multiple %shift_left3A_416, 16 : i32
      %shift_right_arithmetic3A_418 = arith.constant 3 : i32
      %shift_right_arithmetic3A_419 = arith.shrsi %scan3A_410, %shift_right_arithmetic3A_418 : i32
      %and3A_420 = arith.constant 7 : i32
      %and3A_421 = arith.andi %scan3A_410, %and3A_420 : i32
      %shift_left3A_422 = arith.constant 4 : i32
      %shift_left3A_423 = arith.shli %and3A_421, %shift_left3A_422 : i32
      %multiple_of3A_424 = tpu.assume_multiple %shift_left3A_423, 16 : i32
      %get3A_425 = arith.index_cast %shift_right_arithmetic3A_419 : i32 to index
      %get3A_426 = arith.index_cast %multiple_of3A_424 : i32 to index
      %get3A_427 = tpu.vector_load %arg7[%get3A_425, %get3A_426] {strides = array<i32>} : memref<64x128xi32, #tpu.memory_space<vmem>>, vector<16xi32>,
      %convert_element_type3A_428 = arith.sitofp %get3A_427 : vector<16xi32> to vector<16xf32>
      %get3A_429 = arith.index_cast %shift_right_arithmetic3A_412 : i32 to index
      %get3A_430 = arith.index_cast %multiple_of3A_417 : i32 to index
      %get3A_431 = tpu.vector_load %arg5[%get3A_429, %get3A_430] {strides = array<i32>} : memref<48x512xf32, #tpu.memory_space<vmem>>, vector<16xf32>,
      %add3A_432 = arith.constant 16 : i32
      %add3A_433 = arith.addi %shift_right_arithmetic3A_412, %add3A_432 : i32
      %get3A_434 = arith.index_cast %add3A_433 : i32 to index
      %get3A_435 = arith.index_cast %multiple_of3A_417 : i32 to index
      %get3A_436 = tpu.vector_load %arg5[%get3A_434, %get3A_435] {strides = array<i32>} : memref<48x512xf32, #tpu.memory_space<vmem>>, vector<16xf32>,
      %add3A_437 = arith.addf %get3A_431, %get3A_436 : vector<16xf32>
      %add3A_438 = arith.constant 32 : i32
      %add3A_439 = arith.addi %shift_right_arithmetic3A_412, %add3A_438 : i32
      %get3A_440 = arith.index_cast %add3A_439 : i32 to index
      %get3A_441 = arith.index_cast %multiple_of3A_417 : i32 to index
      %get3A_442 = tpu.vector_load %arg5[%get3A_440, %get3A_441] {strides = array<i32>} : memref<48x512xf32, #tpu.memory_space<vmem>>, vector<16xf32>,
      %add3A_443 = arith.addf %add3A_437, %get3A_442 : vector<16xf32>
      %mul3A_444 = arith.mulf %add3A_443, %convert_element_type3A_428 : vector<16xf32>
      %add3A_445 = arith.addf %add3A_402, %add3A_443 : vector<16xf32>
      %add3A_446 = arith.addf %add3A_403, %mul3A_444 : vector<16xf32>
      %mul3A_447 = arith.mulf %mul3A_444, %convert_element_type3A_428 : vector<16xf32>
      %add3A_448 = arith.addf %add3A_405, %mul3A_447 : vector<16xf32>
      %add3A_449 = arith.addf %add3A_406, %convert_element_type3A_428 : vector<16xf32>
      %mul3A_450 = arith.mulf %convert_element_type3A_428, %convert_element_type3A_428 : vector<16xf32>
      %add3A_451 = arith.addf %add3A_408, %mul3A_450 : vector<16xf32>
      %scan3A_452 = arith.constant 3 : i32
      %scan3A_453 = arith.addi %scan3A_322, %scan3A_452 : i32
      %shift_right_arithmetic3A_454 = arith.constant 5 : i32
      %shift_right_arithmetic3A_455 = arith.shrsi %scan3A_453, %shift_right_arithmetic3A_454 : i32
      %and3A_456 = arith.constant 31 : i32
      %and3A_457 = arith.andi %scan3A_453, %and3A_456 : i32
      %shift_left3A_458 = arith.constant 4 : i32
      %shift_left3A_459 = arith.shli %and3A_457, %shift_left3A_458 : i32
      %multiple_of3A_460 = tpu.assume_multiple %shift_left3A_459, 16 : i32
      %shift_right_arithmetic3A_461 = arith.constant 3 : i32
      %shift_right_arithmetic3A_462 = arith.shrsi %scan3A_453, %shift_right_arithmetic3A_461 : i32
      %and3A_463 = arith.constant 7 : i32
      %and3A_464 = arith.andi %scan3A_453, %and3A_463 : i32
      %shift_left3A_465 = arith.constant 4 : i32
      %shift_left3A_466 = arith.shli %and3A_464, %shift_left3A_465 : i32
      %multiple_of3A_467 = tpu.assume_multiple %shift_left3A_466, 16 : i32
      %get3A_468 = arith.index_cast %shift_right_arithmetic3A_462 : i32 to index
      %get3A_469 = arith.index_cast %multiple_of3A_467 : i32 to index
      %get3A_470 = tpu.vector_load %arg7[%get3A_468, %get3A_469] {strides = array<i32>} : memref<64x128xi32, #tpu.memory_space<vmem>>, vector<16xi32>,
      %convert_element_type3A_471 = arith.sitofp %get3A_470 : vector<16xi32> to vector<16xf32>
      %get3A_472 = arith.index_cast %shift_right_arithmetic3A_455 : i32 to index
      %get3A_473 = arith.index_cast %multiple_of3A_460 : i32 to index
      %get3A_474 = tpu.vector_load %arg5[%get3A_472, %get3A_473] {strides = array<i32>} : memref<48x512xf32, #tpu.memory_space<vmem>>, vector<16xf32>,
      %add3A_475 = arith.constant 16 : i32
      %add3A_476 = arith.addi %shift_right_arithmetic3A_455, %add3A_475 : i32
      %get3A_477 = arith.index_cast %add3A_476 : i32 to index
      %get3A_478 = arith.index_cast %multiple_of3A_460 : i32 to index
      %get3A_479 = tpu.vector_load %arg5[%get3A_477, %get3A_478] {strides = array<i32>} : memref<48x512xf32, #tpu.memory_space<vmem>>, vector<16xf32>,
      %add3A_480 = arith.addf %get3A_474, %get3A_479 : vector<16xf32>
      %add3A_481 = arith.constant 32 : i32
      %add3A_482 = arith.addi %shift_right_arithmetic3A_455, %add3A_481 : i32
      %get3A_483 = arith.index_cast %add3A_482 : i32 to index
      %get3A_484 = arith.index_cast %multiple_of3A_460 : i32 to index
      %get3A_485 = tpu.vector_load %arg5[%get3A_483, %get3A_484] {strides = array<i32>} : memref<48x512xf32, #tpu.memory_space<vmem>>, vector<16xf32>,
      %add3A_486 = arith.addf %add3A_480, %get3A_485 : vector<16xf32>
      %mul3A_487 = arith.mulf %add3A_486, %convert_element_type3A_471 : vector<16xf32>
      %add3A_488 = arith.addf %add3A_445, %add3A_486 : vector<16xf32>
      %add3A_489 = arith.addf %add3A_446, %mul3A_487 : vector<16xf32>
      %mul3A_490 = arith.mulf %mul3A_487, %convert_element_type3A_471 : vector<16xf32>
      %add3A_491 = arith.addf %add3A_448, %mul3A_490 : vector<16xf32>
      %add3A_492 = arith.addf %add3A_449, %convert_element_type3A_471 : vector<16xf32>
      %mul3A_493 = arith.mulf %convert_element_type3A_471, %convert_element_type3A_471 : vector<16xf32>
      %add3A_494 = arith.addf %add3A_451, %mul3A_493 : vector<16xf32>
      scf.yield %add3A_488, %add3A_489, %add3A_491, %add3A_492, %add3A_494 : vector<16xf32>, vector<16xf32>, vector<16xf32>, vector<16xf32>, vector<16xf32>
    }
    %scan3A_302 = arith.constant 512 : i32
    %swap3A = arith.constant 0 : i32
    %swap3A_303 = arith.index_cast %swap3A : i32 to index
    %swap3A_304 = arith.constant 0 : index
    %swap3A_305 = tpu.vector_load %arg9[%swap3A_303, %swap3A_304] {strides = array<i32>} : memref<8x128xf32, #tpu.memory_space<vmem>>, vector<16xf32>,
    tpu.vector_store %arg9[%swap3A_303, %swap3A_304], %scan3A_301#0 {strides = array<i32>} : memref<8x128xf32, #tpu.memory_space<vmem>>, vector<16xf32>,
    %swap3A_306 = arith.constant 0 : i32
    %swap3A_307 = arith.index_cast %swap3A_306 : i32 to index
    %swap3A_308 = arith.constant 16 : index
    %swap3A_309 = tpu.vector_load %arg9[%swap3A_307, %swap3A_308] {strides = array<i32>} : memref<8x128xf32, #tpu.memory_space<vmem>>, vector<16xf32>,
    tpu.vector_store %arg9[%swap3A_307, %swap3A_308], %scan3A_301#1 {strides = array<i32>} : memref<8x128xf32, #tpu.memory_space<vmem>>, vector<16xf32>,
    %swap3A_310 = arith.constant 0 : i32
    %swap3A_311 = arith.index_cast %swap3A_310 : i32 to index
    %swap3A_312 = arith.constant 32 : index
    %swap3A_313 = tpu.vector_load %arg9[%swap3A_311, %swap3A_312] {strides = array<i32>} : memref<8x128xf32, #tpu.memory_space<vmem>>, vector<16xf32>,
    tpu.vector_store %arg9[%swap3A_311, %swap3A_312], %scan3A_301#2 {strides = array<i32>} : memref<8x128xf32, #tpu.memory_space<vmem>>, vector<16xf32>,
    %swap3A_314 = arith.constant 0 : i32
    %swap3A_315 = arith.index_cast %swap3A_314 : i32 to index
    %swap3A_316 = arith.constant 48 : index
    %swap3A_317 = tpu.vector_load %arg9[%swap3A_315, %swap3A_316] {strides = array<i32>} : memref<8x128xf32, #tpu.memory_space<vmem>>, vector<16xf32>,
    tpu.vector_store %arg9[%swap3A_315, %swap3A_316], %scan3A_301#3 {strides = array<i32>} : memref<8x128xf32, #tpu.memory_space<vmem>>, vector<16xf32>,
    %swap3A_318 = arith.constant 0 : i32
    %swap3A_319 = arith.index_cast %swap3A_318 : i32 to index
    %swap3A_320 = arith.constant 64 : index
    %swap3A_321 = tpu.vector_load %arg9[%swap3A_319, %swap3A_320] {strides = array<i32>} : memref<8x128xf32, #tpu.memory_space<vmem>>, vector<16xf32>,
    tpu.vector_store %arg9[%swap3A_319, %swap3A_320], %scan3A_301#4 {strides = array<i32>} : memref<8x128xf32, #tpu.memory_space<vmem>>, vector<16xf32>,
    "tpu.region"() ({
      %run_scoped3A = tpu.sem_alloc : memref<!tpu.dma_semaphore, #tpu.memory_space<semaphore_mem>>
      %dma_start3A_322 = arith.constant 0 : i32
      %dma_start3A_323 = arith.constant 0 : i32
      %dma_start3A_324 = tpu.memref_slice %arg4[%add3A, %dma_start3A_322, %dma_start3A_323] : memref<32x8x128xf32, #tpu.memory_space<hbm>> -> memref<1x8x128xf32, #tpu.memory_space<hbm>>
      %dma_start3A_325 = tpu.memref_squeeze %dma_start3A_324 : memref<1x8x128xf32, #tpu.memory_space<hbm>> -> memref<8x128xf32, #tpu.memory_space<hbm>>
      %dma_start3A_326 = arith.constant 0 : i32
      %dma_start3A_327 = arith.constant 0 : i32
      %dma_start3A_328 = tpu.memref_slice %arg4[%add3A, %dma_start3A_326, %dma_start3A_327] : memref<32x8x128xf32, #tpu.memory_space<hbm>> -> memref<1x8x128xf32, #tpu.memory_space<hbm>>
      %dma_start3A_329 = tpu.memref_squeeze %dma_start3A_328 : memref<1x8x128xf32, #tpu.memory_space<hbm>> -> memref<8x128xf32, #tpu.memory_space<hbm>>
      tpu.enqueue_dma source(%arg9 : memref<8x128xf32, #tpu.memory_space<vmem>>) target(%dma_start3A_329 : memref<8x128xf32, #tpu.memory_space<hbm>>) target_semaphore(%run_scoped3A : memref<!tpu.dma_semaphore, #tpu.memory_space<semaphore_mem>>)
      %dma_wait3A_330 = arith.constant 0 : i32
      %dma_wait3A_331 = arith.constant 0 : i32
      %dma_wait3A_332 = tpu.memref_slice %arg4[%add3A, %dma_wait3A_330, %dma_wait3A_331] : memref<32x8x128xf32, #tpu.memory_space<hbm>> -> memref<1x8x128xf32, #tpu.memory_space<hbm>>
      %dma_wait3A_333 = tpu.memref_squeeze %dma_wait3A_332 : memref<1x8x128xf32, #tpu.memory_space<hbm>> -> memref<8x128xf32, #tpu.memory_space<hbm>>
      %dma_wait3A_334 = arith.constant 0 : i32
      %dma_wait3A_335 = arith.constant 0 : i32
      %dma_wait3A_336 = tpu.memref_slice %arg4[%add3A, %dma_wait3A_334, %dma_wait3A_335] : memref<32x8x128xf32, #tpu.memory_space<hbm>> -> memref<1x8x128xf32, #tpu.memory_space<hbm>>
      %dma_wait3A_337 = tpu.memref_squeeze %dma_wait3A_336 : memref<1x8x128xf32, #tpu.memory_space<hbm>> -> memref<8x128xf32, #tpu.memory_space<hbm>>
      tpu.wait_dma2 semaphore(%run_scoped3A : memref<!tpu.dma_semaphore, #tpu.memory_space<semaphore_mem>>) src(%arg9 : memref<8x128xf32, #tpu.memory_space<vmem>>) dst(%dma_wait3A_337 : memref<8x128xf32, #tpu.memory_space<hbm>>)
      tpu.yield
    }) : () -> ()
    return
  }
}

module attributes {stable_mosaic.version = 14 : i64} {
  func.func @phase1_tc_body(%arg0: i32, %arg1: memref<1536x512xf32, #tpu.memory_space<vmem>>, %arg2: memref<2048x128xi32, #tpu.memory_space<vmem>>, %arg3: memref<8x128xf32, #tpu.memory_space<vmem>>) attributes {dimension_semantics = [#tpu.dimension_semantics<arbitrary>], iteration_bounds = array<i64: 5>, scalar_prefetch = 0 : i64, scratch_operands = 0 : i64, tpu.core_type = #tpu.core_type<tc>, window_params = [{transform_indices = @transform_0, window_bounds = array<i64: 1536, 512>}, {transform_indices = @transform_1, window_bounds = array<i64: 2048, 128>}, {pipeline_mode = #tpu.pipeline_mode<synchronous>, transform_indices = @transform_2, window_bounds = array<i64: 8, 128>}]} {
    %get3A = arith.constant 0 : index
    %get3A_0 = arith.constant 0 : index
    %get3A_1 = vector.load %arg2[%get3A, %get3A_0] : memref<2048x128xi32, #tpu.memory_space<vmem>>, vector<2048x128xi32>
    %reshape3A = vector.shape_cast %get3A_1 : vector<2048x128xi32> to vector<512x512xi32>
    %convert_element_type3A = arith.sitofp %reshape3A : vector<512x512xi32> to vector<512x512xf32>
    %get3A_2 = arith.constant 0 : index
    %get3A_3 = arith.constant 0 : index
    %get3A_4 = vector.load %arg1[%get3A_2, %get3A_3] : memref<1536x512xf32, #tpu.memory_space<vmem>>, vector<512x512xf32>
    %get3A_5 = arith.constant 512 : index
    %get3A_6 = arith.constant 0 : index
    %get3A_7 = vector.load %arg1[%get3A_5, %get3A_6] : memref<1536x512xf32, #tpu.memory_space<vmem>>, vector<512x512xf32>
    %add3A = arith.addf %get3A_4, %get3A_7 : vector<512x512xf32>
    %get3A_8 = arith.constant 1024 : index
    %get3A_9 = arith.constant 0 : index
    %get3A_10 = vector.load %arg1[%get3A_8, %get3A_9] : memref<1536x512xf32, #tpu.memory_space<vmem>>, vector<512x512xf32>
    %add3A_11 = arith.addf %add3A, %get3A_10 : vector<512x512xf32>
    %mul3A = arith.mulf %add3A_11, %convert_element_type3A : vector<512x512xf32>
    %reduce_sum3A = vector.shape_cast %add3A_11 : vector<512x512xf32> to vector<1x512x512xf32>
    %reduce_sum3A_12 = arith.constant dense<0.000000e+00> : vector<1xf32>
    %reduce_sum3A_13 = vector.multi_reduction <add>, %reduce_sum3A, %reduce_sum3A_12 [1, 2] : vector<1x512x512xf32> to vector<1xf32>
    %reduce_sum3A_14 = vector.shape_cast %reduce_sum3A_13 : vector<1xf32> to vector<1x1x1xf32>
    %reduce_sum3A_15 = vector.extract %reduce_sum3A_14[0, 0, 0] : f32 from vector<1x1x1xf32>
    %reduce_sum3A_16 = vector.shape_cast %mul3A : vector<512x512xf32> to vector<1x512x512xf32>
    %reduce_sum3A_17 = arith.constant dense<0.000000e+00> : vector<1xf32>
    %reduce_sum3A_18 = vector.multi_reduction <add>, %reduce_sum3A_16, %reduce_sum3A_17 [1, 2] : vector<1x512x512xf32> to vector<1xf32>
    %reduce_sum3A_19 = vector.shape_cast %reduce_sum3A_18 : vector<1xf32> to vector<1x1x1xf32>
    %reduce_sum3A_20 = vector.extract %reduce_sum3A_19[0, 0, 0] : f32 from vector<1x1x1xf32>
    %mul3A_21 = arith.mulf %mul3A, %convert_element_type3A : vector<512x512xf32>
    %reduce_sum3A_22 = vector.shape_cast %mul3A_21 : vector<512x512xf32> to vector<1x512x512xf32>
    %reduce_sum3A_23 = arith.constant dense<0.000000e+00> : vector<1xf32>
    %reduce_sum3A_24 = vector.multi_reduction <add>, %reduce_sum3A_22, %reduce_sum3A_23 [1, 2] : vector<1x512x512xf32> to vector<1xf32>
    %reduce_sum3A_25 = vector.shape_cast %reduce_sum3A_24 : vector<1xf32> to vector<1x1x1xf32>
    %reduce_sum3A_26 = vector.extract %reduce_sum3A_25[0, 0, 0] : f32 from vector<1x1x1xf32>
    %reduce_sum3A_27 = vector.shape_cast %convert_element_type3A : vector<512x512xf32> to vector<1x512x512xf32>
    %reduce_sum3A_28 = arith.constant dense<0.000000e+00> : vector<1xf32>
    %reduce_sum3A_29 = vector.multi_reduction <add>, %reduce_sum3A_27, %reduce_sum3A_28 [1, 2] : vector<1x512x512xf32> to vector<1xf32>
    %reduce_sum3A_30 = vector.shape_cast %reduce_sum3A_29 : vector<1xf32> to vector<1x1x1xf32>
    %reduce_sum3A_31 = vector.extract %reduce_sum3A_30[0, 0, 0] : f32 from vector<1x1x1xf32>
    %mul3A_32 = arith.mulf %convert_element_type3A, %convert_element_type3A : vector<512x512xf32>
    %reduce_sum3A_33 = vector.shape_cast %mul3A_32 : vector<512x512xf32> to vector<1x512x512xf32>
    %reduce_sum3A_34 = arith.constant dense<0.000000e+00> : vector<1xf32>
    %reduce_sum3A_35 = vector.multi_reduction <add>, %reduce_sum3A_33, %reduce_sum3A_34 [1, 2] : vector<1x512x512xf32> to vector<1xf32>
    %reduce_sum3A_36 = vector.shape_cast %reduce_sum3A_35 : vector<1xf32> to vector<1x1x1xf32>
    %reduce_sum3A_37 = vector.extract %reduce_sum3A_36[0, 0, 0] : f32 from vector<1x1x1xf32>
    %eq3A = arith.constant 0 : i32
    %eq3A_38 = arith.cmpi eq, %arg0, %eq3A : i32
    %convert_element_type3A_39 = arith.extui %eq3A_38 : i1 to i32
    %cond3A = arith.constant 0 : i32
    %cond3A_40 = arith.cmpi ne, %convert_element_type3A_39, %cond3A : i32
    scf.if %cond3A_40 {
      %broadcast_in_dim3A_92 = arith.constant 0.000000e+00 : f32
      %broadcast_in_dim3A_93 = vector.broadcast %broadcast_in_dim3A_92 : f32 to vector<8x128xf32>
      %swap3A_94 = arith.constant 0 : index
      %swap3A_95 = arith.constant 0 : index
      %swap3A_96 = vector.load %arg3[%swap3A_94, %swap3A_95] : memref<8x128xf32, #tpu.memory_space<vmem>>, vector<8x128xf32>
      tpu.vector_store %arg3[%swap3A_94, %swap3A_95], %broadcast_in_dim3A_93 {strides = array<i32>} : memref<8x128xf32, #tpu.memory_space<vmem>>, vector<8x128xf32>,
    } else {
    }
    %iota3A = tpu.iota {dimensions = array<i32: 0>} : vector<8x128xi32>
    %iota3A_41 = tpu.iota {dimensions = array<i32: 1>} : vector<8x128xi32>
    %broadcast_in_dim3A = arith.constant 0.000000e+00 : f32
    %broadcast_in_dim3A_42 = vector.broadcast %broadcast_in_dim3A : f32 to vector<8x128xf32>
    %eq3A_43 = arith.constant 0 : i32
    %eq3A_44 = vector.broadcast %eq3A_43 : i32 to vector<8x128xi32>
    %eq3A_45 = arith.cmpi eq, %iota3A, %eq3A_44 : vector<8x128xi32>
    %eq3A_46 = arith.constant 0 : i32
    %eq3A_47 = vector.broadcast %eq3A_46 : i32 to vector<8x128xi32>
    %eq3A_48 = arith.cmpi eq, %iota3A_41, %eq3A_47 : vector<8x128xi32>
    %and3A = arith.andi %eq3A_45, %eq3A_48 : vector<8x128xi1>
    %broadcast_in_dim3A_49 = vector.broadcast %reduce_sum3A_15 : f32 to vector<8x128xf32>
    %select_n3A = arith.select %and3A, %broadcast_in_dim3A_49, %broadcast_in_dim3A_42 : vector<8x128xi1>, vector<8x128xf32>
    %eq3A_50 = arith.constant 0 : i32
    %eq3A_51 = vector.broadcast %eq3A_50 : i32 to vector<8x128xi32>
    %eq3A_52 = arith.cmpi eq, %iota3A, %eq3A_51 : vector<8x128xi32>
    %eq3A_53 = arith.constant 1 : i32
    %eq3A_54 = vector.broadcast %eq3A_53 : i32 to vector<8x128xi32>
    %eq3A_55 = arith.cmpi eq, %iota3A_41, %eq3A_54 : vector<8x128xi32>
    %and3A_56 = arith.andi %eq3A_52, %eq3A_55 : vector<8x128xi1>
    %broadcast_in_dim3A_57 = vector.broadcast %reduce_sum3A_20 : f32 to vector<8x128xf32>
    %select_n3A_58 = arith.select %and3A_56, %broadcast_in_dim3A_57, %select_n3A : vector<8x128xi1>, vector<8x128xf32>
    %eq3A_59 = arith.constant 0 : i32
    %eq3A_60 = vector.broadcast %eq3A_59 : i32 to vector<8x128xi32>
    %eq3A_61 = arith.cmpi eq, %iota3A, %eq3A_60 : vector<8x128xi32>
    %eq3A_62 = arith.constant 2 : i32
    %eq3A_63 = vector.broadcast %eq3A_62 : i32 to vector<8x128xi32>
    %eq3A_64 = arith.cmpi eq, %iota3A_41, %eq3A_63 : vector<8x128xi32>
    %and3A_65 = arith.andi %eq3A_61, %eq3A_64 : vector<8x128xi1>
    %broadcast_in_dim3A_66 = vector.broadcast %reduce_sum3A_26 : f32 to vector<8x128xf32>
    %select_n3A_67 = arith.select %and3A_65, %broadcast_in_dim3A_66, %select_n3A_58 : vector<8x128xi1>, vector<8x128xf32>
    %eq3A_68 = arith.constant 0 : i32
    %eq3A_69 = vector.broadcast %eq3A_68 : i32 to vector<8x128xi32>
    %eq3A_70 = arith.cmpi eq, %iota3A, %eq3A_69 : vector<8x128xi32>
    %eq3A_71 = arith.constant 3 : i32
    %eq3A_72 = vector.broadcast %eq3A_71 : i32 to vector<8x128xi32>
    %eq3A_73 = arith.cmpi eq, %iota3A_41, %eq3A_72 : vector<8x128xi32>
    %and3A_74 = arith.andi %eq3A_70, %eq3A_73 : vector<8x128xi1>
    %broadcast_in_dim3A_75 = vector.broadcast %reduce_sum3A_31 : f32 to vector<8x128xf32>
    %select_n3A_76 = arith.select %and3A_74, %broadcast_in_dim3A_75, %select_n3A_67 : vector<8x128xi1>, vector<8x128xf32>
    %eq3A_77 = arith.constant 0 : i32
    %eq3A_78 = vector.broadcast %eq3A_77 : i32 to vector<8x128xi32>
    %eq3A_79 = arith.cmpi eq, %iota3A, %eq3A_78 : vector<8x128xi32>
    %eq3A_80 = arith.constant 4 : i32
    %eq3A_81 = vector.broadcast %eq3A_80 : i32 to vector<8x128xi32>
    %eq3A_82 = arith.cmpi eq, %iota3A_41, %eq3A_81 : vector<8x128xi32>
    %and3A_83 = arith.andi %eq3A_79, %eq3A_82 : vector<8x128xi1>
    %broadcast_in_dim3A_84 = vector.broadcast %reduce_sum3A_37 : f32 to vector<8x128xf32>
    %select_n3A_85 = arith.select %and3A_83, %broadcast_in_dim3A_84, %select_n3A_76 : vector<8x128xi1>, vector<8x128xf32>
    %get3A_86 = arith.constant 0 : index
    %get3A_87 = arith.constant 0 : index
    %get3A_88 = vector.load %arg3[%get3A_86, %get3A_87] : memref<8x128xf32, #tpu.memory_space<vmem>>, vector<8x128xf32>
    %add3A_89 = arith.addf %get3A_88, %select_n3A_85 : vector<8x128xf32>
    %swap3A = arith.constant 0 : index
    %swap3A_90 = arith.constant 0 : index
    %swap3A_91 = vector.load %arg3[%swap3A, %swap3A_90] : memref<8x128xf32, #tpu.memory_space<vmem>>, vector<8x128xf32>
    tpu.vector_store %arg3[%swap3A, %swap3A_90], %add3A_89 {strides = array<i32>} : memref<8x128xf32, #tpu.memory_space<vmem>>, vector<8x128xf32>,
    return
  }
  func.func @transform_0(%arg0: i32) -> (i32, i32) {
    %add3A = arith.constant 3 : i32
    %add3A_0 = arith.addi %add3A, %arg0 : i32
    %c0_i32 = arith.constant 0 : i32
    %c0_i32_1 = arith.constant 0 : i32
    return %add3A_0, %c0_i32 : i32, i32
  }
  func.func @transform_1(%arg0: i32) -> (i32, i32) {
    %add3A = arith.constant 3 : i32
    %add3A_0 = arith.addi %add3A, %arg0 : i32
    %c0_i32 = arith.constant 0 : i32
    %c0_i32_1 = arith.constant 0 : i32
    return %add3A_0, %c0_i32 : i32, i32
  }
  func.func @transform_2(%arg0: i32) -> (i32, i32) {
    %c0_i32 = arith.constant 0 : i32
    %c0_i32_0 = arith.constant 0 : i32
    %c0_i32_1 = arith.constant 0 : i32
    return %c0_i32, %c0_i32_0 : i32, i32
  }
}

module attributes {stable_mosaic.version = 14 : i64} {
  func.func @phase2_body(%arg0: i32, %arg1: memref<2048x128xi32, #tpu.memory_space<vmem>>, %arg2: memref<32x8x128xf32, #tpu.memory_space<vmem>>, %arg3: memref<8x128xf32, #tpu.memory_space<vmem>>, %arg4: memref<1536x512xf32, #tpu.memory_space<vmem>>) attributes {dimension_semantics = [#tpu.dimension_semantics<parallel>], iteration_bounds = array<i64: 8>, scalar_prefetch = 0 : i64, scratch_operands = 0 : i64, tpu.core_type = #tpu.core_type<tc>, window_params = [{transform_indices = @transform_0, window_bounds = array<i64: 2048, 128>}, {pipeline_mode = #tpu.pipeline_mode<synchronous>, transform_indices = @transform_1, window_bounds = array<i64: 32, 8, 128>}, {pipeline_mode = #tpu.pipeline_mode<synchronous>, transform_indices = @transform_2, window_bounds = array<i64: 8, 128>}, {transform_indices = @transform_3, window_bounds = array<i64: 1536, 512>}]} {
    %get3A = arith.constant 0 : index
    %get3A_0 = arith.constant 0 : index
    %get3A_1 = arith.constant 0 : index
    %get3A_2 = vector.load %arg2[%get3A, %get3A_0, %get3A_1] : memref<32x8x128xf32, #tpu.memory_space<vmem>>, vector<32x8x128xf32>
    %slice3A = vector.extract_strided_slice %get3A_2 {offsets = [0, 0, 0], sizes = [32, 1, 128], strides = [1, 1, 1]} : vector<32x8x128xf32> to vector<32x1x128xf32>
    %squeeze3A = vector.shape_cast %slice3A : vector<32x1x128xf32> to vector<32x128xf32>
    %reduce_sum3A = arith.constant dense<0.000000e+00> : vector<128xf32>
    %reduce_sum3A_3 = vector.multi_reduction <add>, %squeeze3A, %reduce_sum3A [0] : vector<32x128xf32> to vector<128xf32>
    %slice3A_4 = vector.extract_strided_slice %reduce_sum3A_3 {offsets = [0], sizes = [16], strides = [1]} : vector<128xf32> to vector<16xf32>
    %reduce_sum3A_5 = vector.shape_cast %slice3A_4 : vector<16xf32> to vector<1x16xf32>
    %reduce_sum3A_6 = arith.constant dense<0.000000e+00> : vector<1xf32>
    %reduce_sum3A_7 = vector.multi_reduction <add>, %reduce_sum3A_5, %reduce_sum3A_6 [1] : vector<1x16xf32> to vector<1xf32>
    %reduce_sum3A_8 = vector.shape_cast %reduce_sum3A_7 : vector<1xf32> to vector<1x1xf32>
    %reduce_sum3A_9 = vector.extract %reduce_sum3A_8[0, 0] : f32 from vector<1x1xf32>
    %get3A_10 = arith.constant 0 : index
    %get3A_11 = arith.constant 0 : index
    %get3A_12 = vector.load %arg3[%get3A_10, %get3A_11] : memref<8x128xf32, #tpu.memory_space<vmem>>, vector<1x1xf32>
    %get3A_13 = vector.extract %get3A_12[0, 0] : f32 from vector<1x1xf32>
    %add3A = arith.addf %reduce_sum3A_9, %get3A_13 : f32
    %slice3A_14 = vector.extract_strided_slice %reduce_sum3A_3 {offsets = [16], sizes = [16], strides = [1]} : vector<128xf32> to vector<16xf32>
    %reduce_sum3A_15 = vector.shape_cast %slice3A_14 : vector<16xf32> to vector<1x16xf32>
    %reduce_sum3A_16 = arith.constant dense<0.000000e+00> : vector<1xf32>
    %reduce_sum3A_17 = vector.multi_reduction <add>, %reduce_sum3A_15, %reduce_sum3A_16 [1] : vector<1x16xf32> to vector<1xf32>
    %reduce_sum3A_18 = vector.shape_cast %reduce_sum3A_17 : vector<1xf32> to vector<1x1xf32>
    %reduce_sum3A_19 = vector.extract %reduce_sum3A_18[0, 0] : f32 from vector<1x1xf32>
    %get3A_20 = arith.constant 0 : index
    %get3A_21 = arith.constant 1 : index
    %get3A_22 = vector.load %arg3[%get3A_20, %get3A_21] : memref<8x128xf32, #tpu.memory_space<vmem>>, vector<1x1xf32>
    %get3A_23 = vector.extract %get3A_22[0, 0] : f32 from vector<1x1xf32>
    %add3A_24 = arith.addf %reduce_sum3A_19, %get3A_23 : f32
    %slice3A_25 = vector.extract_strided_slice %reduce_sum3A_3 {offsets = [32], sizes = [16], strides = [1]} : vector<128xf32> to vector<16xf32>
    %reduce_sum3A_26 = vector.shape_cast %slice3A_25 : vector<16xf32> to vector<1x16xf32>
    %reduce_sum3A_27 = arith.constant dense<0.000000e+00> : vector<1xf32>
    %reduce_sum3A_28 = vector.multi_reduction <add>, %reduce_sum3A_26, %reduce_sum3A_27 [1] : vector<1x16xf32> to vector<1xf32>
    %reduce_sum3A_29 = vector.shape_cast %reduce_sum3A_28 : vector<1xf32> to vector<1x1xf32>
    %reduce_sum3A_30 = vector.extract %reduce_sum3A_29[0, 0] : f32 from vector<1x1xf32>
    %get3A_31 = arith.constant 0 : index
    %get3A_32 = arith.constant 2 : index
    %get3A_33 = vector.load %arg3[%get3A_31, %get3A_32] : memref<8x128xf32, #tpu.memory_space<vmem>>, vector<1x1xf32>
    %get3A_34 = vector.extract %get3A_33[0, 0] : f32 from vector<1x1xf32>
    %add3A_35 = arith.addf %reduce_sum3A_30, %get3A_34 : f32
    %slice3A_36 = vector.extract_strided_slice %reduce_sum3A_3 {offsets = [48], sizes = [16], strides = [1]} : vector<128xf32> to vector<16xf32>
    %reduce_sum3A_37 = vector.shape_cast %slice3A_36 : vector<16xf32> to vector<1x16xf32>
    %reduce_sum3A_38 = arith.constant dense<0.000000e+00> : vector<1xf32>
    %reduce_sum3A_39 = vector.multi_reduction <add>, %reduce_sum3A_37, %reduce_sum3A_38 [1] : vector<1x16xf32> to vector<1xf32>
    %reduce_sum3A_40 = vector.shape_cast %reduce_sum3A_39 : vector<1xf32> to vector<1x1xf32>
    %reduce_sum3A_41 = vector.extract %reduce_sum3A_40[0, 0] : f32 from vector<1x1xf32>
    %get3A_42 = arith.constant 0 : index
    %get3A_43 = arith.constant 3 : index
    %get3A_44 = vector.load %arg3[%get3A_42, %get3A_43] : memref<8x128xf32, #tpu.memory_space<vmem>>, vector<1x1xf32>
    %get3A_45 = vector.extract %get3A_44[0, 0] : f32 from vector<1x1xf32>
    %add3A_46 = arith.addf %reduce_sum3A_41, %get3A_45 : f32
    %slice3A_47 = vector.extract_strided_slice %reduce_sum3A_3 {offsets = [64], sizes = [16], strides = [1]} : vector<128xf32> to vector<16xf32>
    %reduce_sum3A_48 = vector.shape_cast %slice3A_47 : vector<16xf32> to vector<1x16xf32>
    %reduce_sum3A_49 = arith.constant dense<0.000000e+00> : vector<1xf32>
    %reduce_sum3A_50 = vector.multi_reduction <add>, %reduce_sum3A_48, %reduce_sum3A_49 [1] : vector<1x16xf32> to vector<1xf32>
    %reduce_sum3A_51 = vector.shape_cast %reduce_sum3A_50 : vector<1xf32> to vector<1x1xf32>
    %reduce_sum3A_52 = vector.extract %reduce_sum3A_51[0, 0] : f32 from vector<1x1xf32>
    %get3A_53 = arith.constant 0 : index
    %get3A_54 = arith.constant 4 : index
    %get3A_55 = vector.load %arg3[%get3A_53, %get3A_54] : memref<8x128xf32, #tpu.memory_space<vmem>>, vector<1x1xf32>
    %get3A_56 = vector.extract %get3A_55[0, 0] : f32 from vector<1x1xf32>
    %add3A_57 = arith.addf %reduce_sum3A_52, %get3A_56 : f32
    %sub3A = arith.subf %add3A_35, %add3A_24 : f32
    %mul3A = arith.constant 5.000000e-01 : f32
    %mul3A_58 = arith.mulf %sub3A, %mul3A : f32
    %mul3A_59 = arith.constant 2.000000e+00 : f32
    %mul3A_60 = arith.mulf %mul3A_59, %mul3A_58 : f32
    %sub3A_61 = arith.subf %add3A_24, %mul3A_60 : f32
    %sub3A_62 = arith.subf %add3A, %sub3A_61 : f32
    %sub3A_63 = arith.subf %sub3A_62, %mul3A_58 : f32
    %sub3A_64 = arith.subf %add3A_57, %add3A_46 : f32
    %mul3A_65 = arith.constant 3.000000e+00 : f32
    %mul3A_66 = arith.mulf %mul3A_65, %sub3A_64 : f32
    %mul3A_67 = arith.constant 5.000000e-01 : f32
    %mul3A_68 = arith.mulf %mul3A_66, %mul3A_67 : f32
    %mul3A_69 = arith.constant 3.000000e+00 : f32
    %mul3A_70 = arith.mulf %mul3A_69, %add3A_46 : f32
    %mul3A_71 = arith.constant 2.000000e+00 : f32
    %mul3A_72 = arith.mulf %mul3A_71, %mul3A_68 : f32
    %sub3A_73 = arith.subf %mul3A_70, %mul3A_72 : f32
    %sub3A_74 = arith.constant 0x4AC00000 : f32
    %sub3A_75 = arith.subf %sub3A_74, %sub3A_73 : f32
    %sub3A_76 = arith.subf %sub3A_75, %mul3A_68 : f32
    %div3A = arith.divf %sub3A_63, %sub3A_76 : f32
    %div3A_77 = arith.divf %sub3A_61, %sub3A_73 : f32
    %div3A_78 = arith.divf %mul3A_58, %mul3A_68 : f32
    %get3A_79 = arith.constant 0 : index
    %get3A_80 = arith.constant 0 : index
    %get3A_81 = vector.load %arg1[%get3A_79, %get3A_80] : memref<2048x128xi32, #tpu.memory_space<vmem>>, vector<2048x128xi32>
    %reshape3A = vector.shape_cast %get3A_81 : vector<2048x128xi32> to vector<512x512xi32>
    %eq3A = arith.constant 0 : i32
    %eq3A_82 = vector.broadcast %eq3A : i32 to vector<512x512xi32>
    %eq3A_83 = arith.cmpi eq, %reshape3A, %eq3A_82 : vector<512x512xi32>
    %eq3A_84 = arith.constant 1 : i32
    %eq3A_85 = vector.broadcast %eq3A_84 : i32 to vector<512x512xi32>
    %eq3A_86 = arith.cmpi eq, %reshape3A, %eq3A_85 : vector<512x512xi32>
    %broadcast_in_dim3A = vector.broadcast %div3A_77 : f32 to vector<512x512xf32>
    %broadcast_in_dim3A_87 = vector.broadcast %div3A_78 : f32 to vector<512x512xf32>
    %select_n3A = arith.select %eq3A_86, %broadcast_in_dim3A, %broadcast_in_dim3A_87 : vector<512x512xi1>, vector<512x512xf32>
    %broadcast_in_dim3A_88 = vector.broadcast %div3A : f32 to vector<512x512xf32>
    %select_n3A_89 = arith.select %eq3A_83, %broadcast_in_dim3A_88, %select_n3A : vector<512x512xi1>, vector<512x512xf32>
    %swap3A = arith.constant 0 : index
    %swap3A_90 = arith.constant 0 : index
    %swap3A_91 = vector.load %arg4[%swap3A, %swap3A_90] : memref<1536x512xf32, #tpu.memory_space<vmem>>, vector<512x512xf32>
    tpu.vector_store %arg4[%swap3A, %swap3A_90], %select_n3A_89 {strides = array<i32>} : memref<1536x512xf32, #tpu.memory_space<vmem>>, vector<512x512xf32>,
    %swap3A_92 = arith.constant 512 : index
    %swap3A_93 = arith.constant 0 : index
    %swap3A_94 = vector.load %arg4[%swap3A_92, %swap3A_93] : memref<1536x512xf32, #tpu.memory_space<vmem>>, vector<512x512xf32>
    tpu.vector_store %arg4[%swap3A_92, %swap3A_93], %select_n3A_89 {strides = array<i32>} : memref<1536x512xf32, #tpu.memory_space<vmem>>, vector<512x512xf32>,
    %swap3A_95 = arith.constant 1024 : index
    %swap3A_96 = arith.constant 0 : index
    %swap3A_97 = vector.load %arg4[%swap3A_95, %swap3A_96] : memref<1536x512xf32, #tpu.memory_space<vmem>>, vector<512x512xf32>
    tpu.vector_store %arg4[%swap3A_95, %swap3A_96], %select_n3A_89 {strides = array<i32>} : memref<1536x512xf32, #tpu.memory_space<vmem>>, vector<512x512xf32>,
    return
  }
  func.func @transform_0(%arg0: i32) -> (i32, i32) {
    %c0_i32 = arith.constant 0 : i32
    %c0_i32_0 = arith.constant 0 : i32
    return %arg0, %c0_i32 : i32, i32
  }
  func.func @transform_1(%arg0: i32) -> (i32, i32, i32) {
    %c0_i32 = arith.constant 0 : i32
    %c0_i32_0 = arith.constant 0 : i32
    %c0_i32_1 = arith.constant 0 : i32
    %c0_i32_2 = arith.constant 0 : i32
    return %c0_i32, %c0_i32_0, %c0_i32_1 : i32, i32, i32
  }
  func.func @transform_2(%arg0: i32) -> (i32, i32) {
    %c0_i32 = arith.constant 0 : i32
    %c0_i32_0 = arith.constant 0 : i32
    %c0_i32_1 = arith.constant 0 : i32
    return %c0_i32, %c0_i32_0 : i32, i32
  }
  func.func @transform_3(%arg0: i32) -> (i32, i32) {
    %c0_i32 = arith.constant 0 : i32
    %c0_i32_0 = arith.constant 0 : i32
    return %arg0, %c0_i32 : i32, i32
  }
}

</mosaic_0001>

<sc_bundles>
// kernel: kernel.5.cloned.1.call-start
scs
__scs_entry_jumppad:
0x0: {  	(pc) =	sbr.rel $0x88, $3  }
0x1: {  	(tag) =	ssettag $0x0;
	lr =	simm.s32 $0x1  }
0x2: {  	[smem:$0x3F9F] =	sst lr;
	_ =	strace $0xD0000000  }
0x3: {  	_ = 	snop  }
0x4: {  	_ = 	snop  }
0x5: {  	_ = 	snop  }
0x6: {  	_ = 	snop  }
0x7: {  	_ = 	snop  }
__scs_overlays_trampoline_lowered:
0x8: {  	[smem:$0x3FAE] =	sst s0  }
0x9: {  	[smem:$0x3FAF] =	sst s1  }
0xa: {  	[smem:$0x3FB0] =	sst s2  }
0xb: {  	[smem:$0x3FB1] =	sst s3  }
0xc: {  	[smem:$0x3FB2] =	sst s4  }
0xd: {  	[smem:$0x3FB3] =	sst s5  }
0xe: {  	[smem:$0x3FB4] =	sst s6  }
0xf: {  	[smem:$0x3FB5] =	sst s7  }
0x10: {  	[smem:$0x3FB6] =	sst s8  }
0x11: {  	[smem:$0x3FB7] =	sst s9;
	s0 =	simm.s32 @!p0 $0x0  }
0x12: {  	s1 =	sld [smem:$0x3F9D];
	s0 =	simm.s32 @p0 $0x1  }
0x13: {  	[smem:$0x3FB8] =	sst s0;
	s0 =	simm.s32 @!p1 $0x0  }
0x14: {  	s2 =	sld [smem:$0x3F9C];
	s0 =	simm.s32 @p1 $0x1  }
0x15: {  	[smem:$0x3FB9] =	sst s0;
	s0 =	simm.s32 @!p2 $0x0  }
0x16: {  	s3 =	sld [smem:$0x3FDB];
	s0 =	simm.s32 @p2 $0x1  }
0x17: {  	s4 =	simm.s32 $0x1BF5;
	[smem:$0x3FBB] =	sst s0  }
0x18: {  	s0 =	sld [smem:$0x3F9E];
	_ =	swait.ge [sflag:s4], $0x0  }
0x19: {  	s7 =	sld [smem:$0x3F9F]  }
0x1a: {  	s8 =	sadd.s32 $0xFFFFE003, lr  }
0x1b: {  	s9 =	sadd.s32 $0xFFFFFEF7, lr;
	s5 =	simm.s32 $0xFFFFFFFF;
	p2 =	slt.u32 s8, $0xFFFFF086  }
0x1c: {  	p1 =	slt.u32 s9, $0xF7A;
	s5 =	simm.s32 @!p2 $0x0  }
0x1d: {  	s5 =	simm.s32 @p1 $0x1;
	p0 =	seq.s32 s7, s2  }
0x1e: {  	s7 =	smul.u32 @!p0 $0xF7A, s2;
	p2 =	seq.s32 @!p0 s5, $0x0  }
0x1f: {  	s9 =	smul.u32 $0xF7A, s1;
	s8 =	simm.s32 @!p0 $0x1BF5;
	p2 =	por !p2, p0  }
0x20: {  	[sflag:s8] =	ssyncset.s32 @!p0 $0xFFFFF086;
	s6 =	sadd.s32 @!p0 s3, s7;
	s7 =	simm.s32 @!p0 $0x108  }
0x21: {  	s3 =	sadd.s32 s3, s9;
	s6 =	sadd.s32 @!p0 $0x88, s6;
	s7 =	simm.s32 @p2 $0x1082  }
0x22: {  	[simem:s7], [sflag:s8] =	dma.local @!p0 [hbm:s6], $0xF7A  }
0x23: {  	s9 =	sor.u32 $0xD0000000, s2;
	s6 =	simm.s32 $0x108;
	_ =	swait.ge @!p0 [sflag:s8], $0x0  }
0x24: {  	s3 =	sadd.s32 $0x88, s3;
	s6 =	simm.s32 @!p1 $0x1082;
	[sflag:s4] =	ssyncset.s32 $0xFFFFF086  }
0x25: {  	[simem:s6], [sflag:s4] =	dma.local [hbm:s3], $0xF7A  }
0x26: {  	[smem:$0x3F9F] =	sst s1;
	(tag) =	ssettag s2;
	_ =	strace s9  }
0x27: {  	s1 =	sld [smem:$0x3FAF]  }
0x28: {  	s2 =	sld [smem:$0x3FB0]  }
0x29: {  	s4 =	sld [smem:$0x3FB2]  }
0x2a: {  	p0 =	seq.s32 s5, $0x0;
	s5 =	sld [smem:$0x3FB3]  }
0x2b: {  	s6 =	sld [smem:$0x3FB4]  }
0x2c: {  	s7 =	sld [smem:$0x3FB5]  }
0x2d: {  	s3 =	simm.s32 $0x108;
	s8 =	sld [smem:$0x3FB6]  }
0x2e: {  	s3 =	simm.s32 @!p0 $0x1082;
	s9 =	sld [smem:$0x3FB7]  }
0x2f: {  	lr =	sadd.s32 s0, s3;
	s0 =	sld [smem:$0x3FAE]  }
0x30: {  	s3 =	sld [smem:$0x3FB1]  }
0x31: {  	[smem:$0x3FBA] =	sst s10  }
0x32: {  	s10 =	sld [smem:$0x3FB8];
	_ =	sdelay $0x3  }
0x33: {  	p0 =	seq.s32 s10, $0x1;
	s10 =	sld [smem:$0x3FBA];
	_ =	sdelay $0x3  }
0x34: {  	[smem:$0x3FBA] =	sst s10  }
0x35: {  	s10 =	sld [smem:$0x3FB9];
	_ =	sdelay $0x3  }
0x36: {  	p1 =	seq.s32 s10, $0x1;
	s10 =	sld [smem:$0x3FBA];
	_ =	sdelay $0x3  }
0x37: {  	[smem:$0x3FBA] =	sst s10  }
0x38: {  	s10 =	sld [smem:$0x3FBB]  }
0x39: {  	_ = 	snop;
	(pc) =	sbr.ind lr, $3  }
0x3a: {  	_ = 	snop  }
0x3b: {  	_ = 	snop  }
0x3c: {  	p2 =	seq.s32 s10, $0x1;
	s10 =	sld [smem:$0x3FBA]  }
0x3d: {  	_ =	shalt  }
0x3e: {  	_ =	shalt  }
0x3f: {  	_ =	shalt  }
0x40: {  	_ =	shalt  }
0x41: {  	_ =	shalt  }
0x42: {  	_ =	shalt  }
0x43: {  	_ =	shalt  }
0x44: {  	_ =	shalt  }
0x45: {  	_ =	shalt  }
0x46: {  	_ =	shalt  }
0x47: {  	_ =	shalt  }
0x48: {  	_ =	shalt  }
0x49: {  	_ =	shalt  }
0x4a: {  	_ =	shalt  }
0x4b: {  	_ =	shalt  }
0x4c: {  	_ =	shalt  }
0x4d: {  	_ =	shalt  }
0x4e: {  	_ =	shalt  }
0x4f: {  	_ =	shalt  }
0x50: {  	_ =	shalt  }
0x51: {  	_ =	shalt  }
0x52: {  	_ =	shalt  }
0x53: {  	_ =	shalt  }
0x54: {  	_ =	shalt  }
0x55: {  	_ =	shalt  }
0x56: {  	_ =	shalt  }
0x57: {  	_ =	shalt  }
0x58: {  	_ =	shalt  }
0x59: {  	_ =	shalt  }
0x5a: {  	_ =	shalt  }
0x5b: {  	_ =	shalt  }
0x5c: {  	_ =	shalt  }
0x5d: {  	_ =	shalt  }
0x5e: {  	_ =	shalt  }
0x5f: {  	_ =	shalt  }
0x60: {  	_ =	shalt  }
0x61: {  	_ =	shalt  }
0x62: {  	_ =	shalt  }
0x63: {  	_ =	shalt  }
0x64: {  	_ =	shalt  }
0x65: {  	_ =	shalt  }
0x66: {  	_ =	shalt  }
0x67: {  	_ =	shalt  }
0x68: {  	_ =	shalt  }
0x69: {  	_ =	shalt  }
0x6a: {  	_ =	shalt  }
0x6b: {  	_ =	shalt  }
0x6c: {  	_ =	shalt  }
0x6d: {  	_ =	shalt  }
0x6e: {  	_ =	shalt  }
0x6f: {  	_ =	shalt  }
0x70: {  	_ =	shalt  }
0x71: {  	_ =	shalt  }
0x72: {  	_ =	shalt  }
0x73: {  	_ =	shalt  }
0x74: {  	_ =	shalt  }
0x75: {  	_ =	shalt  }
0x76: {  	_ =	shalt  }
0x77: {  	_ =	shalt  }
0x78: {  	_ =	shalt  }
0x79: {  	_ =	shalt  }
0x7a: {  	_ =	shalt  }
0x7b: {  	_ =	shalt  }
0x7c: {  	_ =	shalt  }
0x7d: {  	_ =	shalt  }
0x7e: {  	_ =	shalt  }
0x7f: {  	_ =	shalt  }
0x80: {  	_ =	shalt  }
0x81: {  	_ =	shalt  }
0x82: {  	_ =	shalt  }
0x83: {  	_ =	shalt  }
0x84: {  	_ =	shalt  }
0x85: {  	_ =	shalt  }
0x86: {  	_ =	shalt  }
0x87: {  	_ =	shalt  }
.Lfunc_end0:
.L_simem_size_0:
called_computation_lowered:
.L_overlay_start_0:
0x88: {  	s2 =	sld [smem:$0x3FD9]  }
0x89: {  	s3 =	sld [smem:$0x3FFE];
	_ =	sdelay $0x1  }
0x8a: {  	s1 =	srdreg.scid  }
0x8b: {  	s0 =	sand.u32 $0x1, s1  }
0x8c: {  	s18 =	sshll.u32 s0, $0xA;
	s2 =	sadd.s32 s3, s2  }
0x8d: {  	s2 =	sadd.s32 s2, s18  }
0x8e: {  	[smem:$0x3FC6] =	sst s2  }
0x8f: {  	_ = 	snop  }
0x90: {  	s2 =	sld [smem:$0x3FC9]  }
0x91: {  	s19 =	sld [smem:$0x3FC8]  }
0x92: {  	s4 =	sld [smem:$0x3FD0];
	(tm) =	ssettm $0x1  }
0x93: {  	s5 =	sld [smem:$0x3FFB];
	_ =	sdelay $0x3  }
0x94: {  	_ =	strace s5  }
0x95: {  	s5 =	sld [smem:$0x3FFC];
	_ =	sdelay $0x3  }
0x96: {  	_ =	strace s5  }
0x97: {  	s5 =	sld [smem:$0x3FFD];
	_ =	sdelay $0x3  }
0x98: {  	_ =	strace s5  }
0x99: {  	_ =	strace $0x8FFFFFFF  }
0x9a: {  	s20 =	sld [smem:$0x3FDB];
	_ =	sdelay $0x1  }
0x9b: {  	s6 =	simm.s32 $_scs_section_size  }
0x9c: {  	s7 =	simm.s32 $_size__tile_overlayer_lowered;
	s8 =	simm.s32 $_tile_overlayer_lowered  }
0x9d: {  	s23 =	simm.s32 $0x1BFF;
	s22 =	sshll.u32 s8, $0x1;
	s5 =	sadd.s32 s6, s20  }
0x9e: {  	s9 =	simm.s32 $0x0;
	s21 =	sshll.u32 s7, $0x1;
	s7 =	sadd.s32 s22, s5  }
0x9f: {  	[timem:s9], [sflag:s23] =	dma.local [hbm:s7], s21  }
0xa0: {  	_ =	swait.ge [sflag:s23], s21  }
0xa1: {  	s6 =	ssub.s32 $0x0, s21;
	[sflag:s23] =	ssyncset.done $0x0  }
0xa2: {  	[sflag:s23] =	ssyncadd.s32 s6;
	_ =	sdelay $0x1  }
0xa3: {  	s24 =	simm.s32 $0x1B8B  }
0xa4: {  	_ =	swait.ge [sflag:s24], $0x1  }
0xa5: {  	[sflag:s24] =	ssyncset.done $0x0  }
0xa6: {  	s25 =	simm.s32 $0x1B8E;
	[sflag:s24] =	ssyncadd.s32 $0xFFFFFFFF  }
0xa7: {  	s26 =	simm.s32 $execute0_lowered;
	[smem:$0x3FD2] =	sst s25  }
0xa8: {  	s6 =	sshll.u32 s26, $0x1;
	_ =	strace $0x80000046;
	[dreg:$0x1] =	wrdreg $0xFFFFFFFF  }
0xa9: {  	s28 =	simm.s32 $_size_execute0_lowered;
	s5 =	sadd.s32 s5, s6;
	[dreg:$0x0] =	wrdreg $0x0  }
0xaa: {  	s6 =	sshll.u32 s28, $0x1;
	[dreg:$0x2] =	wrdreg s5  }
0xab: {  	[dreg:$0x3] =	wrdreg s6  }
0xac: {  	[dreg:$0x4] =	wrdreg $0xC0  }
0xad: {  	_ =	task [dreg:s9], $0x5FFFF  }
0xae: {  	[dreg:$0x1] =	wrdreg $0xFFFFFFFF  }
0xaf: {  	[dreg:$0x0] =	wrdreg $0x60  }
0xb0: {  	[dreg:$0x2] =	wrdreg s2  }
0xb1: {  	[dreg:$0x3] =	wrdreg s19  }
0xb2: {  	[dreg:$0x4] =	wrdreg s4  }
0xb3: {  	[dreg:$0x5] =	wrdreg $0x9  }
0xb4: {  	_ =	task.clear_ibuf [dreg:s9], $0x6FFFF;
	_ =	strace $0x90000046  }
0xb5: {  	s29 =	simm.s32 $0x9;
	_ =	strace $0x80000048  }
0xb6: {  	_ =	swait.ge [sflag:s29], $0x1  }
0xb7: {  	[sflag:s29] =	ssyncadd.s32 $0xFFFFFFFF  }
0xb8: {  	_ =	strace $0x90000048  }
0xb9: {  	_ =	sfence  }
0xba: {  	s30 =	sld [smem:$0x0];
	_ =	sdelay $0x2  }
0xbb: {  	s31 =	sshll.u32 s1, $0xD;
	s1 =	sshrl.u32 s1, $0x2  }
0xbc: {  	s3 =	sand.u32 $0x4000, s31;
	s1 =	sadd.s32 s1, s30  }
0xbd: {  	s0 =	sor.u32 s3, s0;
	s1 =	sshll.u32 s1, $0x11  }
0xbe: {  	s0 =	sor.u32 s1, s0  }
0xbf: {  	s0 =	sadd.s32 $0x8F2B, s0  }
0xc0: {  	[sflag:s0] =	ssyncadd.remote.s32 $0x1  }
0xc1: {  	_ =	sfence.sel $0xFFFF  }
0xc2: {  	[dreg:$0x0] =	wrdreg $0xFFFFFFFF;
	(pc) =	sbr.abs _section_cstart, $3  }
0xc3: {  	[dreg:$0x1] =	wrdreg $0xFFFFFFFF  }
0xc4: {  	_ =	task.clear_ibuf [dreg:s9], $0x2FFFF;
	_ =	strace $0x9FFFFFFF  }
0xc5: {  	(tm) =	ssettm $0x7FFFFFFF  }
tec
execute0_lowered:
.L_overlay_start_1:
0x0: {  	(tag) =	ssettag $0x1  }
0x1: {  	s4 =	rddreg [dreg:$0x0]  }
0x2: {  	s0 =	srdreg.scid;
	s6 =	rddreg [dreg:$0x1]  }
0x3: {  	s1 =	stileid.u32;
	s15 =	rddreg [dreg:$0x2];
	s2 =	simm.s32 $0x0  }
0x4: {  	s28 =	simm.s32 $0x4;
	s0 =	sand.u32 $0x1, s0;
	s1 =	sshll.u32 s1, $0x1  }
0x5: {  	s30 =	simm.s32 $0x5;
	s31 =	simm.s32 $0x0;
	s1 =	sor.u32 s0, s1  }
0x6: {  	[smem:$0x7FF] =	sst s2;
	s0 =	ssub.s32 $0x2, s0;
	s5 =	smul.u32 $0x30, s1  }
0x7: {  	_ =	strace $0x80000047;
	s20 =	sshrl.u32 s0, $0x1;
	s22 =	smul.u32 $0xC00, s1  }
0x8: {  	s24 =	smul.u32 $0x6000, s1;
	s1 =	sshll.u32 s1, $0x7;
	s0 =	ssub.s32 s0, s20  }
0x9: {  	s15 =	sadd.s32 s15, s1;
	s3 =	sshrl.u32 s5, $0x9;
	s7 =	sand.u32 $0x1F0, s5  }
0xa: {  	s8 =	sadd.s32 $0x10, s5;
	s5 =	sadd.s32 $0x20, s5;
	s3 =	smul.u32 $0x600, s3  }
0xb: {  	s16 =	smax.u32 s0, $0x1;
	s21 =	sshrl.u32 s8, $0x9;
	s10 =	sshrl.u32 s5, $0x9  }
0xc: {  	s8 =	sand.u32 $0x1F0, s8;
	s23 =	smul.u32 $0x600, s10;
	s3 =	sor.u32 s7, s3  }
0xd: {  	s5 =	sand.u32 $0x1F0, s5;
	s7 =	smul.u32 $0x600, s21;
	s3 =	sshll.u32 s3, $0x6  }
0xe: {  	s10 =	sshrl.u32 s24, $0x3;
	s24 =	simm.s32 $0x1;
	s3 =	sadd.s32 s4, s3  }
0xf: {  	s5 =	sor.u32 s5, s23;
	s7 =	sor.u32 s8, s7;
	s9 =	sadd.s32 $0x8000, s3  }
0x10: {  	s5 =	sshll.u32 s5, $0x6;
	s11 =	sadd.s32 $0x10000, s3;
	[dreg:$0x4] =	wrdreg s9  }
0x11: {  	s7 =	sshll.u32 s7, $0x6;
	[dreg:$0x5] =	wrdreg s11;
	s9 =	sadd.s32 s6, s22  }
0x12: {  	s7 =	sadd.s32 s4, s7;
	s6 =	sadd.s32 s6, s10;
	s10 =	sadd.s32 s4, s5  }
0x13: {  	[dreg:$0x6] =	wrdreg s9;
	s25 =	sadd.s32 $0x8000, s7;
	s26 =	sadd.s32 $0x10000, s7  }
0x14: {  	s29 =	sadd.s32 $0x400, s6;
	s12 =	sadd.s32 $0x8000, s10;
	[dreg:$0x7] =	wrdreg s25  }
0x15: {  	s13 =	sadd.s32 $0x10000, s10;
	s14 =	sadd.s32 $0x800, s6;
	[dreg:$0x8] =	wrdreg s26  }
0x16: {  	[dreg:$0x9] =	wrdreg s29;
	s25 =	simm.s32 $0x3;
	s26 =	simm.s32 $0x2  }
.LBB2_1:
0x17: {  	[tilespmem:s2], [sflag:$0x1] =	stream.linear.gather [hbm4b:s3+s2], $0x2000, $0x38;
	[tilespmem:$0x10400] =	vst v63  }
0x18: {  	s0 =	rddreg [dreg:$0x4];
	s1 =	simm.s32 $0x2000  }
0x19: {  	[tilespmem:s1], [sflag:$0x1] =	stream.linear.gather [hbm4b:s0+s2], $0x2000, $0x38;
	[tilespmem:$0x10400] =	vst v63  }
0x1a: {  	s4 =	simm.s32 $0x4000;
	s1 =	rddreg [dreg:$0x5]  }
0x1b: {  	[tilespmem:s4], [sflag:$0x1] =	stream.linear.gather [hbm4b:s1+s2], $0x2000, $0x38;
	[tilespmem:$0x10400] =	vst v63  }
0x1c: {  	s5 =	rddreg [dreg:$0x6];
	s6 =	simm.s32 $0xC000  }
0x1d: {  	[tilespmem:s6], [sflag:$0x3] =	stream.linear.gather [hbm4b:s5+s2], $0x2000, $0x38;
	[tilespmem:$0x10400] =	vst v63  }
0x1e: {  	s8 =	simm.s32 $0x6000  }
0x1f: {  	[tilespmem:s8], [sflag:$0x2] =	stream.linear.gather [hbm4b:s7+s2], $0x2000, $0x38;
	[tilespmem:$0x10400] =	vst v63  }
0x20: {  	s9 =	rddreg [dreg:$0x7];
	s11 =	simm.s32 $0x8000  }
0x21: {  	[tilespmem:s11], [sflag:$0x2] =	stream.linear.gather [hbm4b:s9+s2], $0x2000, $0x38;
	[tilespmem:$0x10400] =	vst v63  }
0x22: {  	s17 =	rddreg [dreg:$0x8];
	s18 =	simm.s32 $0xA000  }
0x23: {  	[tilespmem:s18], [sflag:$0x2] =	stream.linear.gather [hbm4b:s17+s2], $0x2000, $0x38;
	[tilespmem:$0x10400] =	vst v63  }
0x24: {  	s19 =	rddreg [dreg:$0x9];
	s20 =	simm.s32 $0xE000  }
0x25: {  	[tilespmem:s20], [sflag:$0x4] =	stream.linear.gather [hbm4b:s19+s2], $0x2000, $0x38;
	[tilespmem:$0x10400] =	vst v63  }
0x26: {  	_ =	swait.ge [sflag:s24], $0x2000  }
0x27: {  	[sflag:s24] =	ssyncset.done $0x0  }
0x28: {  	[sflag:s24] =	ssyncadd.s32 $0xFFFFE000  }
0x29: {  	_ =	swait.ge [sflag:s24], $0x2000  }
0x2a: {  	[sflag:s24] =	ssyncset.done $0x0  }
0x2b: {  	[sflag:s24] =	ssyncadd.s32 $0xFFFFE000  }
0x2c: {  	s21 =	simm.s32 $0x0;
	_ =	swait.ge [sflag:s24], $0x2000  }
0x2d: {  	s22 =	simm.s32 $0x0;
	s0 =	sand.u32 $0x1000, s21;
	[sflag:s24] =	ssyncset.done $0x0  }
0x2e: {  	s1 =	sand.u32 $0x380, s22;
	s4 =	sand.u32 $0x40, s2;
	[sflag:s24] =	ssyncadd.s32 $0xFFFFE000  }
0x2f: {  	s0 =	sor.u32 s1, s0;
	s5 =	sand.u32 $0xC00, s2;
	_ =	swait.ge [sflag:s25], $0x2000  }
0x30: {  	s6 =	sor.u32 $0x10, s4;
	s5 =	sor.u32 s5, s0;
	[sflag:s25] =	ssyncset.done $0x0  }
0x31: {  	s0 =	sor.u32 s6, s5;
	[sflag:s25] =	ssyncadd.s32 $0xFFFFE000  }
0x32: {  	s23 =	sor.u32 s4, s5;
	s17 =	sor.u32 $0x2000, s5;
	v1 =	vld [tilespmem:s0+$0x0]  }
0x33: {  	s1 =	sor.u32 s4, s17;
	v3 =	vld [tilespmem:s23+$0x0]  }
0x34: {  	s18 =	sor.u32 $0x4000, s5;
	s9 =	sor.u32 s6, s17;
	v4 =	vld [tilespmem:s1+$0x0]  }
0x35: {  	s8 =	sand.u32 $0x1F80, s2;
	s20 =	sor.u32 s4, s18;
	v5 =	vld [tilespmem:s9+$0x0]  }
0x36: {  	s21 =	sor.u32 $0x30, s4;
	s0 =	sor.u32 $0xC000, s8;
	v7 =	vld [tilespmem:s20+$0x0];
	s20 =	sor.u32 s6, s18  }
0x37: {  	s23 =	sor.u32 $0x20, s4;
	s11 =	sor.u32 s21, s0;
	v15 =	vld [tilespmem:s20+$0x0]  }
0x38: {  	s22 =	sor.u32 s23, s0;
	v8 =	vld [tilespmem:s11+$0x0]  }
0x39: {  	s4 =	sor.u32 s4, s0;
	s0 =	sor.u32 s6, s0;
	v0 =	vld [tilespmem:s22+$0x0]  }
0x3a: {  	s8 =	simm.s32 $0x40;
	v9 =	vld [tilespmem:s0+$0x0]  }
0x3b: {  	s29 =	simm.s32 $0x10;
	s9 =	sand.u32 $0x1000, s8;
	s8 =	sor.u32 s21, s5;
	v10 =	vld [tilespmem:s4+$0x0]  }
0x3c: {  	s19 =	simm.s32 $0x40;
	s1 =	simm.s32 $0x200;
	s5 =	sor.u32 s23, s5;
	v16 =	vld [tilespmem:s8+$0x0]  }
0x3d: {  	s1 =	sand.u32 $0xC00, s1;
	s11 =	sand.u32 $0x380, s29;
	v11 =	vld [tilespmem:s5+$0x0];
	s5 =	sor.u32 s21, s17  }
0x3e: {  	s22 =	sand.u32 $0x40, s19;
	s0 =	sor.u32 s11, s9;
	s11 =	sor.u32 s23, s17;
	v19 =	vld [tilespmem:s5+$0x0]  }
0x3f: {  	s8 =	sor.u32 s23, s18;
	s0 =	sor.u32 s1, s0;
	s1 =	sor.u32 $0x10, s22;
	v14 =	vld [tilespmem:s11+$0x0]  }
0x40: {  	v12 =	vld [tilespmem:s8+$0x0];
	s9 =	sor.u32 s1, s0  }
0x41: {  	v3 =	vadd.f32 v4, v3;
	s6 =	sor.u32 s22, s0;
	s20 =	sor.u32 $0x2000, s0;
	v2 =	vld [tilespmem:s9+$0x0]  }
0x42: {  	v1 =	vadd.f32 v5, v1;
	v6 =	vld [tilespmem:s6+$0x0];
	s9 =	sor.u32 s22, s20  }
0x43: {  	s29 =	simm.s32 $0x400;
	s23 =	simm.s32 $0x4;
	s11 =	sor.u32 s21, s18;
	v5 =	vimm.f32 $0.0e+00;
	v3 =	vadd.f32 v7, v3;
	v13 =	vld [tilespmem:s9+$0x0];
	v10 =	vcvt.s32.f32 v10  }
0x44: {  	s17 =	sand.u32 $0x1F80, s19;
	s21 =	sor.u32 $0x4000, s0;
	s18 =	sor.u32 s1, s20;
	v4 =	vcvt.s32.f32 v9;
	v9 =	vimm.f32 $0.0e+00;
	v17 =	vadd.f32 v14, v11;
	v14 =	vld [tilespmem:s11+$0x0]  }
0x45: {  	s4 =	sor.u32 $0x30, s22;
	s17 =	sor.u32 $0xC000, s17;
	s19 =	sor.u32 s22, s21;
	v7 =	vimm.f32 $0.0e+00;
	v18 =	vadd.f32 v3, v5;
	v11 =	vadd.f32 v15, v1;
	v15 =	vld [tilespmem:s18+$0x0]  }
0x46: {  	s5 =	simm.s32 $0x80;
	s6 =	sor.u32 $0x20, s22;
	v19 =	vadd.f32 v19, v16;
	v16 =	vld [tilespmem:s19+$0x0];
	v1 =	vcvt.s32.f32 v8;
	s18 =	sor.u32 s4, s17;
	v8 =	vimm.f32 $0.0e+00  }
.LBB2_2:
0x47: {  	s23 =	sadd.s32 $0x4, s23;
	s19 =	sand.u32 $0x40, s5;
	s8 =	sor.u32 s6, s17;
	v20 =	vld [tilespmem:s18+$0x0];
	v18 =	vadd.f32 v11, v18;
	v21 =	vcvt.s32.f32 v0;
	v12 =	vadd.f32 v12, v17  }
0x48: {  	s11 =	sor.u32 s1, s17;
	s18 =	sshll.u32 s23, $0x4;
	s9 =	sshll.u32 s23, $0x2;
	v6 =	vadd.f32 v13, v6;
	v0 =	vld [tilespmem:s8+$0x0];
	v13 =	vmul.f32 v10, v3;
	v17 =	vmul.f32 v4, v4  }
0x49: {  	s17 =	sor.u32 s22, s17;
	v23 =	vmul.f32 v10, v10;
	s8 =	sand.u32 $0x1000, s18;
	s9 =	sand.u32 $0x380, s9;
	v22 =	vld [tilespmem:s11+$0x0];
	v18 =	vadd.f32 v12, v18;
	v14 =	vadd.f32 v14, v19  }
0x4a: {  	v11 =	vmul.f32 v4, v11;
	s11 =	sand.u32 $0xC00, s29;
	s8 =	sor.u32 s9, s8;
	v19 =	vld [tilespmem:s17+$0x0];
	v24 =	vadd.f32 v15, v2;
	s9 =	sor.u32 s4, s0;
	v2 =	vmul.f32 v10, v13  }
0x4b: {  	s18 =	sor.u32 s6, s0;
	v12 =	vmul.f32 v21, v12;
	s17 =	sor.u32 $0x10, s19;
	v3 =	vadd.f32 v16, v6;
	s0 =	sor.u32 s11, s8;
	v25 =	vld [tilespmem:s9+$0x0];
	v16 =	vadd.f32 v14, v18  }
0x4c: {  	p0 =	slt.u32 s23, $0x1FC;
	s22 =	smov.u32 s19;
	v5 =	vadd.f32 v13, v5;
	v13 =	vmul.f32 v4, v11;
	s8 =	sor.u32 s17, s0;
	v15 =	vld [tilespmem:s18+$0x0];
	v9 =	vadd.f32 v2, v9  }
0x4d: {  	v8 =	vadd.f32 v10, v8;
	v7 =	vadd.f32 v23, v7;
	v10 =	vmul.f32 v1, v14;
	s9 =	sor.u32 s22, s0;
	v2 =	vld [tilespmem:s8+$0x0]  }
0x4e: {  	v5 =	vadd.f32 v11, v5;
	v11 =	vmul.f32 v21, v12;
	s8 =	sor.u32 s6, s20;
	v6 =	vld [tilespmem:s9+$0x0];
	v9 =	vadd.f32 v13, v9  }
0x4f: {  	v4 =	vadd.f32 v4, v8;
	v8 =	vmul.f32 v21, v21;
	v7 =	vadd.f32 v17, v7;
	s9 =	sor.u32 s1, s21;
	s1 =	smov.u32 s17;
	v14 =	vld [tilespmem:s8+$0x0]  }
0x50: {  	v5 =	vadd.f32 v12, v5;
	s8 =	sor.u32 s4, s20;
	v23 =	vld [tilespmem:s9+$0x0];
	v9 =	vadd.f32 v11, v9;
	v11 =	vmul.f32 v1, v10  }
0x51: {  	v4 =	vadd.f32 v21, v4;
	v17 =	vmul.f32 v1, v1;
	s6 =	sor.u32 s6, s21;
	v7 =	vadd.f32 v8, v7;
	s20 =	sor.u32 $0x2000, s0;
	v26 =	vld [tilespmem:s8+$0x0]  }
.Ltmp0:
0x52: {  	v5 =	vadd.f32 v10, v5;
	s8 =	sor.u32 s22, s20;
	v12 =	vld [tilespmem:s6+$0x0];
	v9 =	vadd.f32 v11, v9;
	(pc) =	sbr.rel @p0 .LBB2_2-.Ltmp0, $4  }
0x53: {  	s29 =	sadd.s32 $0x200, s29;
	v8 =	vadd.f32 v1, v4;
	s4 =	sor.u32 s4, s21;
	v7 =	vadd.f32 v17, v7;
	v13 =	vld [tilespmem:s8+$0x0]  }
0x54: {  	s21 =	sor.u32 $0x4000, s0;
	s6 =	sand.u32 $0x1F80, s5;
	s8 =	sor.u32 s1, s20;
	v17 =	vadd.f32 v14, v15;
	v14 =	vld [tilespmem:s4+$0x0]  }
0x55: {  	v18 =	vadd.f32 v3, v16;
	v1 =	vcvt.s32.f32 v20;
	s17 =	sor.u32 $0xC000, s6;
	s6 =	sor.u32 s22, s21;
	s4 =	sor.u32 $0x30, s22;
	v15 =	vld [tilespmem:s8+$0x0];
	v11 =	vadd.f32 v23, v24  }
0x56: {  	v4 =	vcvt.s32.f32 v22;
	v10 =	vcvt.s32.f32 v19;
	s5 =	sadd.s32 $0x40, s5;
	s18 =	sor.u32 s4, s17;
	v16 =	vld [tilespmem:s6+$0x0];
	s6 =	sor.u32 $0x20, s22;
	v19 =	vadd.f32 v26, v25  }
0x57: {  	s5 =	sor.u32 s6, s17;
	v20 =	vld [tilespmem:s18+$0x0]  }
0x58: {  	s8 =	sor.u32 s1, s17;
	v21 =	vld [tilespmem:s5+$0x0]  }
0x59: {  	s9 =	sor.u32 s22, s17;
	v22 =	vld [tilespmem:s8+$0x0]  }
0x5a: {  	s11 =	sor.u32 s4, s0;
	v23 =	vld [tilespmem:s9+$0x0]  }
0x5b: {  	s17 =	sor.u32 s6, s0;
	v24 =	vld [tilespmem:s11+$0x0]  }
0x5c: {  	s18 =	sor.u32 s6, s20;
	v25 =	vld [tilespmem:s17+$0x0]  }
0x5d: {  	s19 =	sor.u32 s1, s21;
	v26 =	vld [tilespmem:s18+$0x0]  }
0x5e: {  	s20 =	sor.u32 s4, s20;
	v27 =	vld [tilespmem:s19+$0x0]  }
0x5f: {  	s22 =	sor.u32 s6, s21;
	v28 =	vld [tilespmem:s20+$0x0]  }
0x60: {  	s23 =	sor.u32 s4, s21;
	s29 =	simm.s32 $0x0;
	v29 =	vld [tilespmem:s22+$0x0]  }
0x61: {  	v30 =	vld [tilespmem:s23+$0x0];
	[tilespmem:s29], [sflag:$0x1] =	stream.linear.gather [hbm4b:s10+s29], $0x2000, $0x38  }
0x62: {  	s4 =	simm.s32 $0x2000  }
0x63: {  	[tilespmem:s4], [sflag:$0x1] =	stream.linear.gather [hbm4b:s12+s29], $0x2000, $0x38;
	[tilespmem:$0x10400] =	vst v63  }
0x64: {  	s5 =	simm.s32 $0x4000  }
0x65: {  	v3 =	vmul.f32 v10, v3;
	[tilespmem:s5], [sflag:$0x1] =	stream.linear.gather [hbm4b:s13+s29], $0x2000, $0x38;
	[tilespmem:$0x10400] =	vst v63  }
0x66: {  	s6 =	simm.s32 $0xC000;
	v12 =	vadd.f32 v12, v17;
	v6 =	vadd.f32 v13, v6  }
0x67: {  	v8 =	vadd.f32 v10, v8;
	v13 =	vadd.f32 v14, v19;
	v14 =	vmul.f32 v10, v3;
	[tilespmem:s6], [sflag:$0x3] =	stream.linear.gather [hbm4b:s14+s29], $0x2000, $0x38;
	[tilespmem:$0x10400] =	vst v63  }
0x68: {  	v3 =	vadd.f32 v3, v5;
	v5 =	vadd.f32 v11, v18;
	v11 =	vmul.f32 v4, v11;
	_ =	swait.ge [sflag:s26], $0x2000  }
0x69: {  	v0 =	vcvt.s32.f32 v0;
	v2 =	vadd.f32 v15, v2;
	v6 =	vadd.f32 v16, v6;
	[sflag:s26] =	ssyncset.done $0x0  }
0x6a: {  	v9 =	vadd.f32 v14, v9;
	v14 =	vmul.f32 v10, v10;
	v10 =	vmul.f32 v4, v11;
	[sflag:s26] =	ssyncadd.s32 $0xFFFFE000  }
0x6b: {  	v5 =	vadd.f32 v12, v5;
	v3 =	vadd.f32 v11, v3;
	v11 =	vmul.f32 v0, v12;
	_ =	swait.ge [sflag:s26], $0x2000  }
0x6c: {  	v12 =	vmul.f32 v1, v13;
	v2 =	vadd.f32 v27, v2;
	v9 =	vadd.f32 v10, v9;
	[sflag:s26] =	ssyncset.done $0x0  }
0x6d: {  	v10 =	vmul.f32 v4, v4;
	v4 =	vadd.f32 v4, v8;
	v8 =	vmul.f32 v0, v11;
	[sflag:s26] =	ssyncadd.s32 $0xFFFFE000  }
0x6e: {  	s8 =	simm.s32 $0x0;
	s9 =	simm.s32 $0x0;
	v17 =	vcvt.s32.f32 v21;
	v7 =	vadd.f32 v14, v7;
	v5 =	vadd.f32 v13, v5;
	_ =	swait.ge [sflag:s26], $0x2000  }
0x6f: {  	s0 =	sand.u32 $0x1000, s8;
	s4 =	sand.u32 $0x380, s9;
	v3 =	vadd.f32 v11, v3;
	v8 =	vadd.f32 v8, v9;
	v9 =	vmul.f32 v1, v12;
	[sflag:s26] =	ssyncset.done $0x0  }
0x70: {  	s11 =	sand.u32 $0xC00, s29;
	s0 =	sor.u32 s4, s0;
	v13 =	vcvt.s32.f32 v20;
	v7 =	vadd.f32 v10, v7;
	v10 =	vmul.f32 v0, v0;
	[sflag:s26] =	ssyncadd.s32 $0xFFFFE000  }
0x71: {  	s17 =	sor.u32 s11, s0;
	v0 =	vadd.f32 v0, v4;
	v8 =	vadd.f32 v9, v8;
	v9 =	vcvt.s32.f32 v23;
	_ =	swait.ge [sflag:s28], $0x2000  }
0x72: {  	s18 =	sand.u32 $0x40, s29;
	s0 =	sor.u32 $0x6000, s17;
	v14 =	vcvt.s32.f32 v22;
	v4 =	vadd.f32 v10, v7;
	v7 =	vmul.f32 v1, v1;
	[sflag:s28] =	ssyncset.done $0x0  }
0x73: {  	s4 =	sor.u32 $0x8000, s17;
	s19 =	sor.u32 s18, s0;
	v5 =	vadd.f32 v6, v5;
	v0 =	vadd.f32 v1, v0;
	v6 =	vmul.f32 v9, v6;
	[sflag:s28] =	ssyncadd.s32 $0xFFFFE000  }
0x74: {  	s5 =	sor.u32 $0x10, s18;
	s9 =	sor.u32 s18, s4;
	v3 =	vadd.f32 v12, v3;
	v4 =	vadd.f32 v7, v4;
	v20 =	vmul.f32 v9, v9;
	v10 =	vld [tilespmem:s19+$0x0]  }
0x75: {  	s20 =	sor.u32 s5, s0;
	v19 =	vmul.f32 v14, v14;
	v0 =	vadd.f32 v9, v0;
	v22 =	vmul.f32 v9, v6;
	v1 =	vld [tilespmem:s9+$0x0]  }
0x76: {  	s1 =	sand.u32 $0x1F80, s29;
	s6 =	sor.u32 $0xA000, s17;
	s21 =	sor.u32 s5, s4;
	v5 =	vadd.f32 v2, v5;
	v2 =	vmul.f32 v14, v2;
	v4 =	vadd.f32 v20, v4;
	v11 =	vld [tilespmem:s20+$0x0]  }
0x77: {  	s1 =	sor.u32 $0xE000, s1;
	s11 =	sor.u32 s18, s6;
	v0 =	vadd.f32 v14, v0;
	v8 =	vadd.f32 v22, v8;
	v12 =	vld [tilespmem:s21+$0x0]  }
0x78: {  	s29 =	sor.u32 s5, s1;
	v22 =	vmul.f32 v14, v2;
	v4 =	vadd.f32 v19, v4;
	v14 =	vmul.f32 v17, v17;
	v16 =	vld [tilespmem:s11+$0x0]  }
0x79: {  	s5 =	sor.u32 s5, s6;
	v7 =	vadd.f32 v26, v25;
	s20 =	sor.u32 $0x30, s18;
	v23 =	vld [tilespmem:s29+$0x0]  }
0x7a: {  	v15 =	vadd.f32 v28, v24;
	v4 =	vadd.f32 v14, v4;
	s9 =	sor.u32 $0x20, s18;
	v14 =	vld [tilespmem:s5+$0x0];
	s22 =	sor.u32 s20, s1  }
0x7b: {  	v7 =	vadd.f32 v29, v7;
	s23 =	sor.u32 s9, s1;
	v18 =	vld [tilespmem:s22+$0x0]  }
0x7c: {  	v15 =	vadd.f32 v30, v15;
	v3 =	vadd.f32 v6, v3;
	s1 =	sor.u32 s18, s1;
	v21 =	vld [tilespmem:s23+$0x0]  }
0x7d: {  	v5 =	vadd.f32 v7, v5;
	v7 =	vmul.f32 v17, v7;
	s19 =	simm.s32 $0x10;
	s11 =	sor.u32 s20, s6;
	v6 =	vld [tilespmem:s1+$0x0]  }
0x7e: {  	v9 =	vmul.f32 v13, v15;
	v2 =	vadd.f32 v2, v3;
	s17 =	sor.u32 s9, s6;
	s18 =	simm.s32 $0x40;
	s21 =	sor.u32 s20, s0;
	v60 =	vld [tilespmem:s11+$0x0]  }
0x7f: {  	v5 =	vadd.f32 v15, v5;
	v3 =	vadd.f32 v22, v8;
	v8 =	vmul.f32 v17, v7;
	s1 =	simm.s32 $0x200;
	v15 =	vld [tilespmem:s17+$0x0];
	s11 =	sand.u32 $0x1000, s18;
	s17 =	sand.u32 $0x380, s19  }
0x80: {  	v2 =	vadd.f32 v7, v2;
	s0 =	sor.u32 s9, s0;
	v20 =	vld [tilespmem:s21+$0x0];
	s22 =	sand.u32 $0xC00, s1;
	s11 =	sor.u32 s17, s11  }
0x81: {  	v3 =	vadd.f32 v8, v3;
	v8 =	vmul.f32 v13, v9;
	v19 =	vld [tilespmem:s0+$0x0];
	s23 =	sor.u32 s9, s4;
	s0 =	simm.s32 $0x40;
	s8 =	sor.u32 s22, s11  }
0x82: {  	v0 =	vadd.f32 v17, v0;
	v7 =	vadd.f32 v9, v2;
	s4 =	sor.u32 s20, s4;
	v22 =	vld [tilespmem:s23+$0x0];
	s9 =	sand.u32 $0x40, s0;
	s21 =	sor.u32 $0x6000, s8  }
0x83: {  	v17 =	vld [tilespmem:s4+$0x0];
	v9 =	vadd.f32 v8, v3;
	v1 =	vadd.f32 v1, v10;
	s20 =	sor.u32 $0x8000, s8;
	s29 =	sor.u32 s9, s21  }
0x84: {  	v2 =	vmul.f32 v13, v13;
	v8 =	vadd.f32 v13, v0;
	s22 =	sor.u32 $0x10, s9;
	v3 =	vadd.f32 v12, v11;
	s5 =	sor.u32 s9, s20;
	v0 =	vld [tilespmem:s29+$0x0]  }
0x85: {  	s6 =	sor.u32 s22, s21;
	v12 =	vadd.f32 v16, v1;
	v61 =	vld [tilespmem:s5+$0x0]  }
0x86: {  	s11 =	sand.u32 $0x1F80, s0;
	v10 =	vadd.f32 v2, v4;
	s4 =	sor.u32 $0xA000, s8;
	s17 =	sor.u32 s22, s20;
	v62 =	vld [tilespmem:s6+$0x0];
	v63 =	vadd.f32 v14, v3  }
0x87: {  	s8 =	sor.u32 $0xE000, s11;
	v11 =	vcvt.s32.f32 v23;
	s18 =	sor.u32 s9, s4;
	v4 =	vadd.f32 v22, v19;
	v19 =	vld [tilespmem:s17+$0x0];
	v5 =	vadd.f32 v12, v5  }
0x88: {  	s5 =	sor.u32 $0x30, s9;
	v2 =	vcvt.s32.f32 v18;
	v14 =	vld [tilespmem:s18+$0x0];
	v13 =	vcvt.s32.f32 v6;
	s29 =	sor.u32 s22, s8;
	v22 =	vadd.f32 v17, v20  }
0x89: {  	s6 =	sor.u32 $0x20, s9;
	v6 =	vcvt.s32.f32 v21;
	s19 =	sor.u32 s5, s8;
	v3 =	vld [tilespmem:s29+$0x0];
	v16 =	vadd.f32 v15, v4;
	v5 =	vadd.f32 v63, v5  }
0x8a: {  	s23 =	sor.u32 s6, s8;
	s8 =	sor.u32 s9, s8;
	v1 =	vld [tilespmem:s19+$0x0];
	v18 =	vmul.f32 v13, v12;
	v12 =	vmul.f32 v11, v11;
	v15 =	vadd.f32 v60, v22  }
0x8b: {  	v17 =	vmul.f32 v13, v13;
	v4 =	vld [tilespmem:s8+$0x0];
	v21 =	vadd.f32 v61, v0;
	v20 =	vadd.f32 v16, v5  }
0x8c: {  	s17 =	sor.u32 s5, s4;
	v22 =	vmul.f32 v13, v18;
	v0 =	vld [tilespmem:s23+$0x0];
	s23 =	simm.s32 $0x4;
	v5 =	vadd.f32 v19, v62;
	v19 =	vmul.f32 v11, v63  }
.LBB2_4:
0x8d: {  	s23 =	sadd.s32 $0x4, s23;
	v23 =	vadd.f32 v14, v21;
	s8 =	sor.u32 s6, s4;
	v24 =	vld [tilespmem:s17+$0x0];
	s1 =	sadd.s32 $0x200, s1;
	v14 =	vmul.f32 v6, v16;
	v16 =	vadd.f32 v15, v20  }
0x8e: {  	v7 =	vadd.f32 v18, v7;
	s9 =	sshll.u32 s23, $0x4;
	s11 =	sshll.u32 s23, $0x2;
	v20 =	vld [tilespmem:s8+$0x0];
	s8 =	sor.u32 s5, s21;
	v9 =	vadd.f32 v22, v9;
	v18 =	vmul.f32 v11, v19  }
0x8f: {  	s17 =	sor.u32 s6, s21;
	v8 =	vadd.f32 v13, v8;
	v10 =	vadd.f32 v17, v10;
	v13 =	vmul.f32 v2, v15;
	s9 =	sand.u32 $0x1000, s9;
	s11 =	sand.u32 $0x380, s11;
	v21 =	vld [tilespmem:s8+$0x0]  }
0x90: {  	s6 =	sor.u32 s6, s20;
	s8 =	sand.u32 $0xC00, s1;
	v7 =	vadd.f32 v19, v7;
	v17 =	vmul.f32 v6, v14;
	s9 =	sor.u32 s11, s9;
	v15 =	vld [tilespmem:s17+$0x0];
	v9 =	vadd.f32 v18, v9  }
0x91: {  	s4 =	sor.u32 s22, s4;
	s0 =	sadd.s32 $0x40, s0;
	v8 =	vadd.f32 v11, v8;
	v10 =	vadd.f32 v12, v10;
	v11 =	vmul.f32 v6, v6;
	s8 =	sor.u32 s8, s9;
	v18 =	vld [tilespmem:s6+$0x0]  }
0x92: {  	s9 =	sand.u32 $0x40, s0;
	v7 =	vadd.f32 v14, v7;
	v14 =	vmul.f32 v2, v13;
	s21 =	sor.u32 $0x6000, s8;
	v12 =	vld [tilespmem:s4+$0x0];
	s4 =	sor.u32 s5, s20;
	v9 =	vadd.f32 v17, v9  }
0x93: {  	p0 =	slt.u32 s23, $0x1FC;
	v6 =	vadd.f32 v6, v8;
	v10 =	vadd.f32 v11, v10;
	v11 =	vmul.f32 v2, v2;
	s20 =	sor.u32 $0x8000, s8;
	s5 =	sor.u32 s9, s21;
	v17 =	vld [tilespmem:s4+$0x0]  }
0x94: {  	s22 =	sor.u32 $0x10, s9;
	s4 =	sor.u32 s9, s20;
	v7 =	vadd.f32 v13, v7;
	v19 =	vld [tilespmem:s5+$0x0];
	v9 =	vadd.f32 v14, v9  }
0x95: {  	v8 =	vadd.f32 v2, v6;
	v10 =	vadd.f32 v11, v10;
	s5 =	sor.u32 s22, s21;
	v22 =	vld [tilespmem:s4+$0x0]  }
0x96: {  	s6 =	sand.u32 $0x1F80, s0;
	s4 =	sor.u32 $0xA000, s8;
	v25 =	vld [tilespmem:s5+$0x0];
	s5 =	sor.u32 s22, s20;
	v15 =	vadd.f32 v18, v15  }
0x97: {  	v6 =	vadd.f32 v23, v16;
	v2 =	vcvt.s32.f32 v1;
	s8 =	sor.u32 $0xE000, s6;
	s6 =	sor.u32 s9, s4;
	v26 =	vld [tilespmem:s5+$0x0];
	s5 =	sor.u32 $0x30, s9;
	v27 =	vadd.f32 v12, v5  }
.Ltmp1:
0x98: {  	v13 =	vcvt.s32.f32 v4;
	v11 =	vcvt.s32.f32 v3;
	v14 =	vld [tilespmem:s6+$0x0];
	s6 =	sor.u32 $0x20, s9;
	s11 =	sor.u32 s5, s8;
	v4 =	vadd.f32 v17, v21;
	(pc) =	sbr.rel @p0 .LBB2_4-.Ltmp1, $4  }
0x99: {  	v16 =	vadd.f32 v20, v15;
	s17 =	sor.u32 s6, s8;
	v1 =	vld [tilespmem:s11+$0x0];
	v5 =	vadd.f32 v27, v6;
	v6 =	vcvt.s32.f32 v0  }
0x9a: {  	v18 =	vmul.f32 v13, v23;
	v12 =	vmul.f32 v11, v11;
	s11 =	sor.u32 s22, s8;
	v21 =	vadd.f32 v22, v19;
	v0 =	vld [tilespmem:s17+$0x0]  }
0x9b: {  	v17 =	vmul.f32 v13, v13;
	s8 =	sor.u32 s9, s8;
	v15 =	vadd.f32 v24, v4;
	v3 =	vld [tilespmem:s11+$0x0];
	v20 =	vadd.f32 v16, v5  }
0x9c: {  	s17 =	sor.u32 s5, s4;
	v22 =	vmul.f32 v13, v18;
	v19 =	vmul.f32 v11, v27;
	v4 =	vld [tilespmem:s8+$0x0];
	v5 =	vadd.f32 v26, v25  }
0x9d: {  	s0 =	sor.u32 s6, s4;
	v23 =	vld [tilespmem:s17+$0x0]  }
0x9e: {  	s17 =	sor.u32 s5, s21;
	v24 =	vld [tilespmem:s0+$0x0]  }
0x9f: {  	s1 =	sor.u32 s6, s21;
	v25 =	vld [tilespmem:s17+$0x0]  }
0xa0: {  	s18 =	sor.u32 s6, s20;
	v26 =	vld [tilespmem:s1+$0x0]  }
0xa1: {  	s19 =	sor.u32 s22, s4;
	v27 =	vld [tilespmem:s18+$0x0]  }
0xa2: {  	s20 =	sor.u32 s5, s20;
	v28 =	vld [tilespmem:s19+$0x0]  }
0xa3: {  	v29 =	vld [tilespmem:s20+$0x0];
	_ =	swait.ge [sflag:s24], $0x2000  }
0xa4: {  	[sflag:s24] =	ssyncset.done $0x0  }
0xa5: {  	[sflag:s24] =	ssyncadd.s32 $0xFFFFE000  }
0xa6: {  	_ =	swait.ge [sflag:s24], $0x2000  }
0xa7: {  	v14 =	vadd.f32 v14, v21;
	v7 =	vadd.f32 v18, v7;
	[sflag:s24] =	ssyncset.done $0x0  }
0xa8: {  	v8 =	vadd.f32 v13, v8;
	v10 =	vadd.f32 v17, v10;
	v16 =	vmul.f32 v6, v16;
	[sflag:s24] =	ssyncadd.s32 $0xFFFFE000  }
0xa9: {  	s21 =	simm.s32 $0x0;
	s22 =	simm.s32 $0x0;
	v9 =	vadd.f32 v22, v9;
	v13 =	vmul.f32 v11, v19;
	v7 =	vadd.f32 v19, v7;
	_ =	swait.ge [sflag:s24], $0x2000  }
0xaa: {  	s23 =	simm.s32 $0x0;
	s8 =	sand.u32 $0x1000, s21;
	v8 =	vadd.f32 v11, v8;
	v11 =	vmul.f32 v6, v16;
	v10 =	vadd.f32 v12, v10;
	[sflag:s24] =	ssyncset.done $0x0  }
0xab: {  	s1 =	sand.u32 $0x380, s22;
	s0 =	sand.u32 $0x40, s23;
	v12 =	vmul.f32 v6, v6;
	v9 =	vadd.f32 v13, v9;
	v13 =	vadd.f32 v15, v20;
	[sflag:s24] =	ssyncadd.s32 $0xFFFFE000  }
0xac: {  	s9 =	sand.u32 $0xC00, s23;
	s1 =	sor.u32 s1, s8;
	v15 =	vmul.f32 v2, v15;
	v7 =	vadd.f32 v16, v7;
	v6 =	vadd.f32 v6, v8;
	_ =	swait.ge [sflag:s25], $0x2000  }
0xad: {  	s4 =	sor.u32 $0x10, s0;
	s21 =	sor.u32 s9, s1;
	v8 =	vadd.f32 v12, v10;
	v10 =	vmul.f32 v2, v2;
	v9 =	vadd.f32 v11, v9;
	[sflag:s25] =	ssyncset.done $0x0  }
0xae: {  	v1 =	vcvt.s32.f32 v1;
	s1 =	sor.u32 s4, s21;
	v13 =	vadd.f32 v14, v13;
	v7 =	vadd.f32 v15, v7;
	[sflag:s25] =	ssyncadd.s32 $0xFFFFE000  }
0xaf: {  	s8 =	sor.u32 s0, s21;
	s6 =	sor.u32 $0x2000, s21;
	v11 =	vmul.f32 v2, v15;
	v2 =	vadd.f32 v2, v6;
	v8 =	vadd.f32 v10, v8;
	v12 =	vld [tilespmem:s1+$0x0]  }
0xb0: {  	v4 =	vcvt.s32.f32 v4;
	s11 =	sor.u32 s0, s6;
	v10 =	vadd.f32 v27, v26;
	v5 =	vadd.f32 v28, v5;
	v6 =	vld [tilespmem:s8+$0x0]  }
0xb1: {  	s17 =	sand.u32 $0x1F80, s23;
	v18 =	vcvt.s32.f32 v0;
	s5 =	sor.u32 $0x4000, s21;
	s18 =	sor.u32 s4, s6;
	v15 =	vadd.f32 v29, v25;
	v9 =	vadd.f32 v11, v9;
	v11 =	vld [tilespmem:s11+$0x0]  }
0xb2: {  	s22 =	sor.u32 $0x30, s0;
	v3 =	vcvt.s32.f32 v3;
	s9 =	sor.u32 s0, s5;
	v14 =	vmul.f32 v4, v14;
	v13 =	vadd.f32 v5, v13;
	s1 =	sor.u32 $0xC000, s17;
	v16 =	vld [tilespmem:s18+$0x0]  }
0xb3: {  	s29 =	sor.u32 $0x20, s0;
	v56 =	vmul.f32 v4, v4;
	v10 =	vadd.f32 v24, v10;
	v15 =	vadd.f32 v23, v15;
	v17 =	vld [tilespmem:s9+$0x0];
	s19 =	sor.u32 s22, s1  }
0xb4: {  	v57 =	vmul.f32 v4, v14;
	v5 =	vmul.f32 v3, v5;
	v7 =	vadd.f32 v14, v7;
	s11 =	sor.u32 s29, s1;
	v20 =	vld [tilespmem:s19+$0x0]  }
0xb5: {  	v19 =	vmul.f32 v3, v3;
	v4 =	vadd.f32 v4, v2;
	v8 =	vadd.f32 v56, v8;
	s18 =	sor.u32 s4, s1;
	v0 =	vld [tilespmem:s11+$0x0]  }
0xb6: {  	v13 =	vadd.f32 v10, v13;
	v9 =	vadd.f32 v57, v9;
	v14 =	vmul.f32 v3, v5;
	s17 =	simm.s32 $0x40;
	s0 =	sor.u32 s0, s1;
	v58 =	vld [tilespmem:s18+$0x0]  }
0xb7: {  	v10 =	vmul.f32 v18, v10;
	v5 =	vadd.f32 v5, v7;
	v3 =	vadd.f32 v3, v4;
	s8 =	sand.u32 $0x1000, s17;
	s17 =	sor.u32 s29, s21;
	v59 =	vld [tilespmem:s0+$0x0]  }
0xb8: {  	v61 =	vadd.f32 v15, v13;
	v13 =	vmul.f32 v1, v15;
	v7 =	vadd.f32 v14, v9;
	s4 =	sor.u32 s4, s5;
	s19 =	simm.s32 $0x10;
	v62 =	vld [tilespmem:s17+$0x0]  }
0xb9: {  	v9 =	vmul.f32 v18, v10;
	v14 =	vmul.f32 v18, v18;
	v15 =	vadd.f32 v18, v3;
	s9 =	simm.s32 $0x200;
	s11 =	sor.u32 s22, s21;
	v18 =	vld [tilespmem:s4+$0x0];
	s19 =	sand.u32 $0x380, s19  }
0xba: {  	s9 =	sand.u32 $0xC00, s9;
	s21 =	sor.u32 s29, s6;
	v60 =	vld [tilespmem:s11+$0x0];
	s8 =	sor.u32 s19, s8  }
0xbb: {  	v4 =	vadd.f32 v19, v8;
	v7 =	vadd.f32 v9, v7;
	v9 =	vld [tilespmem:s21+$0x0];
	s0 =	sor.u32 s9, s8;
	s8 =	sor.u32 s22, s6  }
0xbc: {  	s23 =	simm.s32 $0x40;
	v5 =	vadd.f32 v10, v5;
	s9 =	sor.u32 s29, s5;
	v63 =	vld [tilespmem:s8+$0x0]  }
0xbd: {  	s20 =	sand.u32 $0x40, s23;
	v10 =	vmul.f32 v1, v13;
	v14 =	vadd.f32 v14, v4;
	v4 =	vadd.f32 v1, v15;
	s5 =	sor.u32 s22, s5;
	v15 =	vld [tilespmem:s9+$0x0]  }
0xbe: {  	v6 =	vadd.f32 v11, v6;
	v11 =	vmul.f32 v1, v1;
	v1 =	vadd.f32 v16, v12;
	s19 =	sor.u32 s20, s0;
	s21 =	sor.u32 $0x2000, s0;
	v12 =	vld [tilespmem:s5+$0x0]  }
0xbf: {  	s1 =	sor.u32 $0x10, s20;
	v3 =	vadd.f32 v13, v5;
	v8 =	vld [tilespmem:s19+$0x0];
	s11 =	sor.u32 s20, s21  }
0xc0: {  	s4 =	simm.s32 $0x400;
	s17 =	sand.u32 $0x1F80, s23;
	v5 =	vadd.f32 v10, v7;
	s18 =	sor.u32 s1, s0;
	v7 =	vadd.f32 v17, v6;
	v16 =	vld [tilespmem:s11+$0x0]  }
0xc1: {  	s23 =	sor.u32 $0x30, s20;
	s22 =	sor.u32 $0x4000, s0;
	v2 =	vld [tilespmem:s18+$0x0];
	v6 =	vadd.f32 v11, v14;
	s18 =	sor.u32 s1, s21;
	v11 =	vadd.f32 v18, v1  }
0xc2: {  	s17 =	sor.u32 $0xC000, s17;
	s29 =	simm.s32 $0x4;
	s19 =	sor.u32 s20, s22;
	v1 =	vcvt.s32.f32 v20;
	v17 =	vadd.f32 v9, v62;
	v13 =	vld [tilespmem:s18+$0x0];
	v19 =	vadd.f32 v7, v61  }
0xc3: {  	s6 =	simm.s32 $0x80;
	s5 =	sor.u32 $0x20, s20;
	v10 =	vcvt.s32.f32 v59;
	v14 =	vld [tilespmem:s19+$0x0];
	s18 =	sor.u32 s23, s17;
	v9 =	vcvt.s32.f32 v58;
	v18 =	vadd.f32 v63, v60  }
.LBB2_6:
0xc4: {  	s29 =	sadd.s32 $0x4, s29;
	s8 =	sand.u32 $0x40, s6;
	s9 =	sor.u32 s5, s17;
	v20 =	vld [tilespmem:s18+$0x0];
	v19 =	vadd.f32 v11, v19;
	v21 =	vcvt.s32.f32 v0;
	v15 =	vadd.f32 v15, v17  }
0xc5: {  	s19 =	sor.u32 s1, s17;
	s11 =	sshll.u32 s29, $0x4;
	s18 =	sshll.u32 s29, $0x2;
	v8 =	vadd.f32 v16, v8;
	v0 =	vld [tilespmem:s9+$0x0];
	v16 =	vmul.f32 v10, v7;
	v17 =	vmul.f32 v9, v9  }
0xc6: {  	s17 =	sor.u32 s20, s17;
	v23 =	vmul.f32 v10, v10;
	s9 =	sand.u32 $0x1000, s11;
	s11 =	sand.u32 $0x380, s18;
	v22 =	vld [tilespmem:s19+$0x0];
	v19 =	vadd.f32 v15, v19;
	v12 =	vadd.f32 v12, v18  }
0xc7: {  	v11 =	vmul.f32 v9, v11;
	s18 =	sand.u32 $0xC00, s4;
	s9 =	sor.u32 s11, s9;
	v18 =	vld [tilespmem:s17+$0x0];
	v24 =	vadd.f32 v13, v2;
	s11 =	sor.u32 s23, s0;
	v2 =	vmul.f32 v10, v16  }
0xc8: {  	s19 =	sor.u32 s5, s0;
	s17 =	sor.u32 $0x10, s8;
	v13 =	vmul.f32 v21, v15;
	v7 =	vadd.f32 v14, v8;
	s0 =	sor.u32 s18, s9;
	v25 =	vld [tilespmem:s11+$0x0];
	v14 =	vadd.f32 v12, v19  }
0xc9: {  	p0 =	slt.u32 s29, $0x1FC;
	s20 =	smov.u32 s8;
	v3 =	vadd.f32 v16, v3;
	v15 =	vmul.f32 v9, v11;
	s9 =	sor.u32 s17, s0;
	v19 =	vld [tilespmem:s19+$0x0];
	v5 =	vadd.f32 v2, v5  }
0xca: {  	v4 =	vadd.f32 v10, v4;
	v6 =	vadd.f32 v23, v6;
	v10 =	vmul.f32 v1, v12;
	s8 =	sor.u32 s20, s0;
	v2 =	vld [tilespmem:s9+$0x0]  }
0xcb: {  	v3 =	vadd.f32 v11, v3;
	v11 =	vmul.f32 v21, v13;
	v8 =	vld [tilespmem:s8+$0x0];
	s8 =	sor.u32 s5, s21;
	v5 =	vadd.f32 v15, v5  }
0xcc: {  	v4 =	vadd.f32 v9, v4;
	v9 =	vmul.f32 v21, v21;
	v6 =	vadd.f32 v17, v6;
	s9 =	sor.u32 s1, s22;
	s1 =	smov.u32 s17;
	v12 =	vld [tilespmem:s8+$0x0]  }
0xcd: {  	v3 =	vadd.f32 v13, v3;
	s8 =	sor.u32 s23, s21;
	v23 =	vld [tilespmem:s9+$0x0];
	v5 =	vadd.f32 v11, v5;
	v11 =	vmul.f32 v1, v10  }
0xce: {  	v4 =	vadd.f32 v21, v4;
	s5 =	sor.u32 s5, s22;
	v6 =	vadd.f32 v9, v6;
	v9 =	vmul.f32 v1, v1;
	s21 =	sor.u32 $0x2000, s0;
	v26 =	vld [tilespmem:s8+$0x0]  }
.Ltmp2:
0xcf: {  	v3 =	vadd.f32 v10, v3;
	s8 =	sor.u32 s20, s21;
	v15 =	vld [tilespmem:s5+$0x0];
	v5 =	vadd.f32 v11, v5;
	(pc) =	sbr.rel @p0 .LBB2_6-.Ltmp2, $4  }
0xd0: {  	s4 =	sadd.s32 $0x200, s4;
	v4 =	vadd.f32 v1, v4;
	v6 =	vadd.f32 v9, v6;
	s5 =	sor.u32 s23, s22;
	v16 =	vld [tilespmem:s8+$0x0]  }
0xd1: {  	s9 =	sor.u32 s1, s21;
	s22 =	sor.u32 $0x4000, s0;
	s8 =	sand.u32 $0x1F80, s6;
	v17 =	vadd.f32 v12, v19;
	v12 =	vld [tilespmem:s5+$0x0]  }
0xd2: {  	v1 =	vcvt.s32.f32 v20;
	s23 =	sor.u32 $0x30, s20;
	s17 =	sor.u32 $0xC000, s8;
	s5 =	sor.u32 s20, s22;
	v19 =	vadd.f32 v7, v14;
	v13 =	vld [tilespmem:s9+$0x0];
	v11 =	vadd.f32 v23, v24  }
0xd3: {  	v10 =	vcvt.s32.f32 v18;
	v9 =	vcvt.s32.f32 v22;
	s6 =	sadd.s32 $0x40, s6;
	s18 =	sor.u32 s23, s17;
	v14 =	vld [tilespmem:s5+$0x0];
	s5 =	sor.u32 $0x20, s20;
	v18 =	vadd.f32 v26, v25  }
0xd4: {  	v19 =	vadd.f32 v11, v19;
	s4 =	sor.u32 s5, s17;
	v28 =	vld [tilespmem:s18+$0x0]  }
0xd5: {  	v15 =	vadd.f32 v15, v17;
	v0 =	vcvt.s32.f32 v0;
	s11 =	sor.u32 s23, s0;
	v44 =	vmul.f32 v1, v1;
	v29 =	vld [tilespmem:s4+$0x0]  }
0xd6: {  	s6 =	sor.u32 s1, s17;
	s9 =	sor.u32 s20, s17;
	s17 =	sor.u32 s5, s0;
	v8 =	vadd.f32 v16, v8;
	v7 =	vmul.f32 v10, v7;
	v20 =	vmul.f32 v9, v9;
	v33 =	vld [tilespmem:s11+$0x0]  }
0xd7: {  	s18 =	sor.u32 s5, s21;
	v22 =	vmul.f32 v10, v10;
	v32 =	vmul.f32 v9, v11;
	v34 =	vld [tilespmem:s17+$0x0];
	v4 =	vadd.f32 v10, v4  }
0xd8: {  	s19 =	sor.u32 s1, s22;
	v37 =	vld [tilespmem:s18+$0x0];
	v19 =	vadd.f32 v15, v19;
	v12 =	vadd.f32 v12, v18;
	v15 =	vmul.f32 v0, v15  }
0xd9: {  	s20 =	sor.u32 s23, s21;
	v39 =	vld [tilespmem:s19+$0x0];
	v40 =	vmul.f32 v0, v0;
	v2 =	vadd.f32 v13, v2;
	v3 =	vadd.f32 v7, v3  }
0xda: {  	v41 =	vld [tilespmem:s20+$0x0];
	v31 =	vmul.f32 v10, v7;
	v6 =	vadd.f32 v22, v6;
	v4 =	vadd.f32 v9, v4  }
0xdb: {  	v30 =	vld [tilespmem:s9+$0x0];
	v35 =	vmul.f32 v9, v32;
	v8 =	vadd.f32 v14, v8;
	v19 =	vadd.f32 v12, v19  }
0xdc: {  	s21 =	sor.u32 s5, s22;
	v21 =	vld [tilespmem:s6+$0x0];
	v36 =	vmul.f32 v1, v12;
	v5 =	vadd.f32 v31, v5;
	v3 =	vadd.f32 v32, v3  }
0xdd: {  	s23 =	sor.u32 s23, s22;
	v43 =	vld [tilespmem:s21+$0x0];
	v38 =	vmul.f32 v0, v15;
	v6 =	vadd.f32 v20, v6;
	v0 =	vadd.f32 v0, v4  }
0xde: {  	v45 =	vld [tilespmem:s23+$0x0];
	v47 =	vcvt.s32.f32 v28;
	v7 =	vadd.f32 v37, v34;
	v46 =	vadd.f32 v8, v19  }
0xdf: {  	v42 =	vmul.f32 v1, v36;
	v2 =	vadd.f32 v39, v2;
	v14 =	vadd.f32 v41, v33  }
0xe0: {  	v13 =	vcvt.s32.f32 v30;
	v5 =	vadd.f32 v35, v5;
	v3 =	vadd.f32 v15, v3  }
0xe1: {  	v48 =	vcvt.s32.f32 v21;
	v6 =	vadd.f32 v40, v6;
	v0 =	vadd.f32 v1, v0  }
0xe2: {  	v49 =	vcvt.s32.f32 v29;
	v12 =	vadd.f32 v2, v46;
	v4 =	vadd.f32 v43, v7  }
0xe3: {  	v50 =	vmul.f32 v13, v8;
	v51 =	vmul.f32 v48, v48;
	v11 =	vadd.f32 v45, v14  }
0xe4: {  	v52 =	vmul.f32 v13, v13;
	v5 =	vadd.f32 v38, v5;
	v3 =	vadd.f32 v36, v3  }
0xe5: {  	v2 =	vmul.f32 v48, v2;
	v6 =	vadd.f32 v44, v6;
	v0 =	vadd.f32 v13, v0  }
0xe6: {  	v60 =	vmul.f32 v49, v49;
	v12 =	vadd.f32 v4, v12;
	v5 =	vadd.f32 v42, v5  }
0xe7: {  	v53 =	vmul.f32 v13, v50;
	v1 =	vadd.f32 v50, v3;
	v6 =	vadd.f32 v52, v6  }
0xe8: {  	v4 =	vmul.f32 v49, v4;
	v0 =	vadd.f32 v48, v0;
	v12 =	vadd.f32 v11, v12  }
0xe9: {  	v55 =	vmul.f32 v48, v2;
	v54 =	vadd.f32 v53, v5;
	v1 =	vadd.f32 v2, v1  }
0xea: {  	v56 =	vmul.f32 v47, v11;
	v59 =	vadd.f32 v51, v6;
	v0 =	vadd.f32 v49, v0  }
0xeb: {  	v58 =	vmul.f32 v49, v4;
	v57 =	vadd.f32 v55, v54;
	v1 =	vadd.f32 v4, v1  }
0xec: {  	v62 =	vmul.f32 v47, v47;
	v4 =	vadd.f32 v60, v59;
	v0 =	vadd.f32 v47, v0  }
0xed: {  	v61 =	vmul.f32 v47, v56;
	[tilespmem:$0x10000] =	vst v12;
	v2 =	vadd.f32 v58, v57;
	v1 =	vadd.f32 v56, v1  }
0xee: {  	v63 =	vadd.f32 v62, v4;
	[tilespmem:$0x10030] =	vst v0  }
0xef: {  	s31 =	sadd.s32 $0x1, s31;
	v2 =	vadd.f32 v61, v2;
	[tilespmem:$0x10010] =	vst v1  }
0xf0: {  	p0 =	sne.s32 s31, s16;
	[tilespmem:$0x10040] =	vst v63  }
.Ltmp3:
0xf1: {  	s29 =	simm.s32 $0x10000;
	[tilespmem:$0x10020] =	vst v2;
	(pc) =	sbr.rel @p0 .LBB2_1-.Ltmp3, $4  }
0xf2: {  	[hbm4b:s15+s2] =	stream.linear.scatter [tilespmem:s29], [sflag:$0x5], $0x400, $0x38;
	[tilespmem:$0x10400] =	vst v63  }
0xf3: {  	_ =	swait.ge [sflag:s30], $0x400  }
0xf4: {  	[sflag:s30] =	ssyncset.done $0x0  }
0xf5: {  	[sflag:s30] =	ssyncadd.s32 $0xFFFFFC00  }
0xf6: {  	_ =	sfence.sel $0x180000  }
0xf7: {  	[bflag:$0x0] =	sbarrier.arrive $0xFFFF  }
0xf8: {  	_ =	strace $0x90000047  }
0xf9: {  	s0 =	stileid.u32;
	[bflag:$0x2] =	sbarrier.arrive $0xFFFF  }
0xfa: {  	p0 =	sne.s32 s0, $0x0;
	s0 =	rddreg [dreg:$0x3]  }
0xfb: {  	s0 =	sadd.s32 @!p0 $0x100000, s0  }
0xfc: {  	[sflag:s0] =	ssyncadd.tile.s32 @!p0 $0x1;
	_ =	shalt  }
.Lfunc_end2:
_tile_overlayer_lowered:
.L_overlay_start_2:
0xfd: {  	(tag) =	ssettag $0x2  }
0xfe: {  	s0 =	rddreg [dreg:$0x0];
	s2 =	stileid.u32  }
0xff: {  	s1 =	rddreg [dreg:$0x1];
	p0 =	sne.s32 s2, $0x0  }
0x100: {  	s3 =	rddreg [dreg:$0x2];
	[bflag:$0x3] =	sbarrier.arrive $0xFFFF;
	s2 =	simm.s32 @!p0 $0x1C05  }
0x101: {  	[timem:s3], [sflag:s2] =	dma.local @!p0 [hbm:s0], s1  }
0x102: {  	s0 =	simm.s32 @!p0 $0x5  }
0x103: {  	_ =	swait.ge @!p0 [sflag:s0], s1  }
0x104: {  	s1 =	ssub.s32 @!p0 $0x0, s1;
	[sflag:s0] =	ssyncset.done @!p0 $0x0  }
0x105: {  	[sflag:s0] =	ssyncadd.s32 @!p0 s1  }
0x106: {  	[bflag:$0x3] =	sbarrier.arrive $0xFFFF  }
0x107: {  	_ =	shalt  }

</sc_bundles>
